<compile_context>
chip_gen: v7x
topology: tpu7x:2x2x1
jax: 0.10.2.dev20260603
libtpu: 0.0.44.dev20260713+nightly
codegen_flags: <defaults>
</compile_context>

<pallas_src>
import jax
import jax.numpy as jnp
from jax import lax
from jax.experimental import pallas as pl
from jax.experimental.pallas import tpu as pltpu
from jax.experimental.pallas import tpu_sc as plsc

N = 10000
E = 320000
D_IN = 128
R1 = 8
R2 = 16
N1 = 32

NC = 2
NS = 16
NW = NC * NS
CH = 128
KCH = 79
EPW = CH * KCH
E_PAD = EPW * NW
ZB = 632
N_ACC = NS * ZB


NBUF = 6


def _edge_loop(y_ref, src_v, dst_v, rows_v, acc_sh, gsem, ssem, kch):

  def gstart(j):
    pltpu.async_copy(y_ref.at[src_v.at[j]], rows_v.at[lax.rem(j, NBUF)],
                     gsem.at[lax.rem(j, NBUF)])

  def gwait(j):
    pltpu.make_async_copy(y_ref.at[src_v.at[j]], rows_v.at[lax.rem(j, NBUF)],
                          gsem.at[lax.rem(j, NBUF)]).wait()

  def sstart(j):
    pltpu.async_copy(rows_v.at[lax.rem(j, NBUF)], acc_sh.at[dst_v.at[j]],
                     ssem.at[lax.rem(j, NBUF)], add=True)

  def swait(j):
    pltpu.make_async_copy(rows_v.at[lax.rem(j, NBUF)], acc_sh.at[dst_v.at[j]],
                          ssem.at[lax.rem(j, NBUF)]).wait()

  for jj in range(NBUF - 1):
    gstart(jj)

  def step(j, carry):
    gwait(j)
    sstart(j)

    @pl.when(j + NBUF - 1 < kch)
    def _():
      @pl.when(j >= 1)
      def _():
        swait(j - 1)

      gstart(j + NBUF - 1)

    return carry

  lax.fori_loop(0, kch, step, 0)
  for jj in range(kch - NBUF, kch):
    swait(jj)


def _seg_body(y_hbm, src_hbm, dst_hbm, zero_hbm, out_hbm,
              src_v, dst_v, rows_v, table_sh, acc_sh, gsem, ssem):
  cid = lax.axis_index("c")
  sid = lax.axis_index("s")
  wid = sid * NC + cid
  pltpu.sync_copy(zero_hbm.at[pl.ds(sid * ZB, ZB)],
                  acc_sh.at[pl.ds(sid * ZB, ZB)])
  pltpu.sync_copy(y_hbm.at[pl.ds(sid * ZB, ZB)],
                  table_sh.at[pl.ds(sid * ZB, ZB)])
  pltpu.sync_copy(src_hbm.at[wid], src_v)
  pltpu.sync_copy(dst_hbm.at[wid], dst_v)
  plsc.subcore_barrier()
  _edge_loop(table_sh, src_v, dst_v, rows_v, acc_sh, gsem, ssem, KCH)
  plsc.subcore_barrier()
  pltpu.sync_copy(acc_sh.at[pl.ds(sid * ZB, ZB)],
                  out_hbm.at[cid, pl.ds(sid * ZB, ZB)])


def _make_seg(d):
  mesh = plsc.VectorSubcoreMesh(core_axis_name="c", subcore_axis_name="s",
                                num_cores=NC, num_subcores=NS)
  return pl.kernel(
      _seg_body,
      out_type=jax.ShapeDtypeStruct((NC, N_ACC, d), jnp.float32),
      mesh=mesh,
      compiler_params=pltpu.CompilerParams(use_tc_tiling_on_sc=False),
      scratch_types=[
          pltpu.VMEM((KCH, CH), jnp.int32),
          pltpu.VMEM((KCH, CH), jnp.int32),
          pltpu.VMEM((NBUF, CH, d), jnp.float32),
          pltpu.VMEM_SHARED((N_ACC, d), jnp.float32),
          pltpu.VMEM_SHARED((N_ACC, d), jnp.float32),
          pltpu.SemaphoreType.DMA((NBUF,)),
          pltpu.SemaphoreType.DMA((NBUF,)),
      ],
  )


_seg8 = _make_seg(R1)

KF = 158
EPT = KF * CH


def _seg_fs_body(xa_hbm, xb_hbm, src_hbm, dst_hbm, zero_hbm, out_hbm,
                 src_v, dst_v, rows_v, acc_sh, gsem, ssem):
  cid = lax.axis_index("c")
  sid = lax.axis_index("s")
  pltpu.sync_copy(zero_hbm.at[pl.ds(sid * ZB, ZB)],
                  acc_sh.at[pl.ds(sid * ZB, ZB)])
  pltpu.sync_copy(src_hbm.at[sid], src_v)
  pltpu.sync_copy(dst_hbm.at[sid], dst_v)
  plsc.subcore_barrier()

  @pl.when(cid == 0)
  def _():
    _edge_loop(xa_hbm, src_v, dst_v, rows_v, acc_sh, gsem, ssem, KF)

  @pl.when(cid == 1)
  def _():
    _edge_loop(xb_hbm, src_v, dst_v, rows_v, acc_sh, gsem, ssem, KF)

  plsc.subcore_barrier()
  pltpu.sync_copy(acc_sh.at[pl.ds(sid * ZB, ZB)],
                  out_hbm.at[cid, pl.ds(sid * ZB, ZB)])


_seg64f = pl.kernel(
    _seg_fs_body,
    out_type=jax.ShapeDtypeStruct((NC, N_ACC, D_IN // 2), jnp.float32),
    mesh=plsc.VectorSubcoreMesh(core_axis_name="c", subcore_axis_name="s",
                                num_cores=NC, num_subcores=NS),
    compiler_params=pltpu.CompilerParams(use_tc_tiling_on_sc=False),
    scratch_types=[
        pltpu.VMEM((KF, CH), jnp.int32),
        pltpu.VMEM((KF, CH), jnp.int32),
        pltpu.VMEM((NBUF, CH, D_IN // 2), jnp.float32),
        pltpu.VMEM_SHARED((N_ACC, D_IN // 2), jnp.float32),
        pltpu.SemaphoreType.DMA((NBUF,)),
        pltpu.SemaphoreType.DMA((NBUF,)),
    ],
)


_DN = (((1,), (0,)), ((), ()))


def _bdot(a, w):
  return lax.dot_general(a.astype(jnp.bfloat16), w.astype(jnp.bfloat16),
                         _DN, preferred_element_type=jnp.float32)


def _tcA_body(p_ref, x_ref, wrel_ref, b_ref, wroot_ref, h1_ref):
  agg = jnp.concatenate([p_ref[0, :N], p_ref[1, :N]], axis=1)
  h = _bdot(agg, wrel_ref[...]) + b_ref[...] + _bdot(x_ref[...], wroot_ref[...])
  h1_ref[...] = jnp.maximum(h, 0.0)


_tcA = pl.pallas_call(
    _tcA_body,
    out_shape=jax.ShapeDtypeStruct((N, R1), jnp.float32),
)


def _tcB_body(p_ref, h1_ref, wrel2_ref, b2_ref, wroot2_ref, wf1_ref, bf1_ref,
              wf2_ref, bf2_ref, o_ref):
  agg2 = p_ref[0, :N] + p_ref[1, :N]
  h2 = jnp.maximum(
      _bdot(agg2, wrel2_ref[...]) + b2_ref[...]
      + _bdot(h1_ref[...], wroot2_ref[...]), 0.0)
  h3 = jnp.maximum(_bdot(h2, wf1_ref[...]) + bf1_ref[...], 0.0)
  h3b = h3.astype(jnp.bfloat16).astype(jnp.float32)
  wf2b = wf2_ref[...].astype(jnp.bfloat16).astype(jnp.float32)
  o = jnp.sum(h3b * wf2b, axis=1, keepdims=True) + bf2_ref[0, 0]
  o_ref[...] = o - jnp.mean(o)


_tcB = pl.pallas_call(
    _tcB_body,
    out_shape=jax.ShapeDtypeStruct((N, 1), jnp.float32),
)


def kernel(x, edge_index, W_rel1, b_rel1, W_root1, W_rel2, b_rel2, W_root2,
           W_fc1, b_fc1, W_fc2, b_fc2):
  src = edge_index[0].astype(jnp.int32)
  dst = edge_index[1].astype(jnp.int32)
  pad = E_PAD - E
  src_flat = jnp.concatenate([src, jnp.zeros((pad,), jnp.int32)])
  dst_flat = jnp.concatenate([dst, jnp.full((pad,), N, jnp.int32)])
  src_p = src_flat.reshape(NW, KCH, CH)
  dst_p = dst_flat.reshape(NW, KCH, CH)
  src_f = src_flat.reshape(NS, KF, CH)
  dst_f = dst_flat.reshape(NS, KF, CH)
  z64 = jnp.zeros((N_ACC, D_IN // 2), jnp.float32)
  z8 = jnp.zeros((N_ACC, R1), jnp.float32)

  xa = x[:, :D_IN // 2]
  xb = x[:, D_IN // 2:]
  p1 = _seg64f(xa, xb, src_f, dst_f, z64)
  h1 = _tcA(p1, x, W_rel1, b_rel1.reshape(1, R1), W_root1)
  h1p = jnp.pad(h1, ((0, N_ACC - N), (0, 0)))
  p2 = _seg8(h1p, src_p, dst_p, z8)
  out = _tcB(p2, h1, W_rel2, b_rel2.reshape(1, R2), W_root2, W_fc1,
             b_fc1.reshape(1, N1), W_fc2.reshape(1, N1), b_fc2.reshape(1, 1))
  return out

# --- scband reference (transcript-rebuilt; emitter-appended) ---
"""Pipeline reference for scband-gcnprediction-net2-13297218748541 (READ-ONLY COPY).

The authoritative reference and input builder live on the scoring server;
editing this copy changes nothing except your own understanding.
"""

import jax, jax.numpy as jnp
import numpy as np

N_NODES = 10000
N_EDGES = 320000
D_IN = 128
R1 = 8
R2 = 16
N1 = 32


def setup_inputs(seed: int = 0) -> dict:
    key = jax.random.key(seed)
    ks = jax.random.split(key, 12)
    x = jax.random.normal(ks[0], (N_NODES, D_IN), dtype=jnp.float32)
    edge_index = jax.random.randint(ks[1], (2, N_EDGES), 0, N_NODES, dtype=jnp.int64)
    # GraphConv gcn1: lin_rel (weight+bias) and lin_root (weight only)
    W_rel1 = jax.random.normal(ks[2], (D_IN, R1), dtype=jnp.float32) / np.sqrt(D_IN)
    b_rel1 = jnp.zeros((R1,), dtype=jnp.float32)
    W_root1 = jax.random.normal(ks[3], (D_IN, R1), dtype=jnp.float32) / np.sqrt(D_IN)
    # GraphConv gcn2
    W_rel2 = jax.random.normal(ks[4], (R1, R2), dtype=jnp.float32) / np.sqrt(R1)
    b_rel2 = jnp.zeros((R2,), dtype=jnp.float32)
    W_root2 = jax.random.normal(ks[5], (R1, R2), dtype=jnp.float32) / np.sqrt(R1)
    # fc1
    W_fc1 = jax.random.normal(ks[6], (R2, N1), dtype=jnp.float32) / np.sqrt(R2)
    b_fc1 = jnp.zeros((N1,), dtype=jnp.float32)
    # fc2
    W_fc2 = jax.random.normal(ks[7], (N1, 1), dtype=jnp.float32) / np.sqrt(N1)
    b_fc2 = jnp.zeros((1,), dtype=jnp.float32)
    return {
        "x": x,
        "edge_index": edge_index,
        "W_rel1": W_rel1, "b_rel1": b_rel1, "W_root1": W_root1,
        "W_rel2": W_rel2, "b_rel2": b_rel2, "W_root2": W_root2,
        "W_fc1": W_fc1, "b_fc1": b_fc1,
        "W_fc2": W_fc2, "b_fc2": b_fc2,
    }


def _graph_conv(x, edge_index, W_rel, b_rel, W_root):
    # PyG GraphConv with aggr='add':
    # out_i = W_rel @ (sum_{j in N(i)} x_j) + b_rel + W_root @ x_i
    src = edge_index[0]
    dst = edge_index[1]
    msg = jnp.take(x, src, axis=0)                      # gather [E, d]
    agg = jax.ops.segment_sum(msg, dst, num_segments=x.shape[0])  # scatter-add
    return agg @ W_rel + b_rel + x @ W_root


def reference(x, edge_index, W_rel1, b_rel1, W_root1, W_rel2, b_rel2, W_root2,
              W_fc1, b_fc1, W_fc2, b_fc2):
    h = jax.nn.relu(_graph_conv(x, edge_index, W_rel1, b_rel1, W_root1))
    h = jax.nn.relu(_graph_conv(h, edge_index, W_rel2, b_rel2, W_root2))
    h = jax.nn.relu(h @ W_fc1 + b_fc1)
    h = h @ W_fc2 + b_fc2
    h = h - jnp.mean(h)
    return h

if __name__ == "__main__":
    import jax
    _d = setup_inputs()
    print(jax.jit(kernel)(*tuple(_d.values())))

</pallas_src>

<mosaic_0001>
#map = affine_map<(d0, d1) -> (0, 0)>
#map1 = affine_map<(d0, d1) -> (0, 0, 0)>
module attributes {stable_mosaic.version = 14 : i64} {
  func.func @_seg_body(%arg0: i32, %arg1: i32, %arg2: memref<10112x8xf32, #tpu.memory_space<hbm>>, %arg3: memref<32x79x128xi32, #tpu.memory_space<hbm>>, %arg4: memref<32x79x128xi32, #tpu.memory_space<hbm>>, %arg5: memref<10112x8xf32, #tpu.memory_space<hbm>>, %arg6: memref<2x10112x8xf32, #tpu.memory_space<hbm>>, %arg7: memref<79x128xi32, #tpu.memory_space<vmem>>, %arg8: memref<79x128xi32, #tpu.memory_space<vmem>>, %arg9: memref<6x128x8xf32, #tpu.memory_space<vmem>>, %arg10: memref<10112x8xf32, #tpu.memory_space<vmem_shared>>, %arg11: memref<10112x8xf32, #tpu.memory_space<vmem_shared>>, %arg12: memref<6x!tpu.dma_semaphore, #tpu.memory_space<semaphore_mem>>, %arg13: memref<6x!tpu.dma_semaphore, #tpu.memory_space<semaphore_mem>>) attributes {dimension_semantics = [#tpu.dimension_semantics<core_parallel>, #tpu.dimension_semantics<subcore_parallel>], iteration_bounds = array<i64: 2, 16>, scalar_prefetch = 0 : i64, scratch_operands = 7 : i64, tpu.core_type = #tpu.core_type<sc_vector_subcore>, window_params = [{transform_indices = #map}, {transform_indices = #map1}, {transform_indices = #map1}, {transform_indices = #map}, {transform_indices = #map1}]} {
    %mul3A = arith.constant 2 : i32
    %mul3A_0 = arith.muli %arg1, %mul3A : i32
    %add3A = arith.addi %mul3A_0, %arg0 : i32
    %mul3A_1 = arith.constant 632 : i32
    %mul3A_2 = arith.muli %arg1, %mul3A_1 : i32
    %mul3A_3 = arith.constant 632 : i32
    %mul3A_4 = arith.muli %arg1, %mul3A_3 : i32
    "tpu.region"() ({
      %run_scoped3A = tpu.sem_alloc : memref<!tpu.dma_semaphore, #tpu.memory_space<semaphore_mem>>
      %dma_start3A_225 = arith.constant 0 : i32
      %dma_start3A_226 = tpu.memref_slice %arg11[%mul3A_4, %dma_start3A_225] : memref<10112x8xf32, #tpu.memory_space<vmem_shared>> -> memref<632x8xf32, #tpu.memory_space<vmem_shared>>
      %dma_start3A_227 = arith.constant 0 : i32
      %dma_start3A_228 = tpu.memref_slice %arg5[%mul3A_2, %dma_start3A_227] : memref<10112x8xf32, #tpu.memory_space<hbm>> -> memref<632x8xf32, #tpu.memory_space<hbm>>
      tpu.enqueue_dma source(%dma_start3A_228 : memref<632x8xf32, #tpu.memory_space<hbm>>) target(%dma_start3A_226 : memref<632x8xf32, #tpu.memory_space<vmem_shared>>) target_semaphore(%run_scoped3A : memref<!tpu.dma_semaphore, #tpu.memory_space<semaphore_mem>>)
      %dma_wait3A_229 = arith.constant 0 : i32
      %dma_wait3A_230 = tpu.memref_slice %arg11[%mul3A_4, %dma_wait3A_229] : memref<10112x8xf32, #tpu.memory_space<vmem_shared>> -> memref<632x8xf32, #tpu.memory_space<vmem_shared>>
      %dma_wait3A_231 = arith.constant 0 : i32
      %dma_wait3A_232 = tpu.memref_slice %arg5[%mul3A_2, %dma_wait3A_231] : memref<10112x8xf32, #tpu.memory_space<hbm>> -> memref<632x8xf32, #tpu.memory_space<hbm>>
      tpu.wait_dma2 semaphore(%run_scoped3A : memref<!tpu.dma_semaphore, #tpu.memory_space<semaphore_mem>>) src(%dma_wait3A_232 : memref<632x8xf32, #tpu.memory_space<hbm>>) dst(%dma_wait3A_230 : memref<632x8xf32, #tpu.memory_space<vmem_shared>>)
      tpu.yield
    }) : () -> ()
    %mul3A_5 = arith.constant 632 : i32
    %mul3A_6 = arith.muli %arg1, %mul3A_5 : i32
    %mul3A_7 = arith.constant 632 : i32
    %mul3A_8 = arith.muli %arg1, %mul3A_7 : i32
    "tpu.region"() ({
      %run_scoped3A = tpu.sem_alloc : memref<!tpu.dma_semaphore, #tpu.memory_space<semaphore_mem>>
      %dma_start3A_225 = arith.constant 0 : i32
      %dma_start3A_226 = tpu.memref_slice %arg10[%mul3A_8, %dma_start3A_225] : memref<10112x8xf32, #tpu.memory_space<vmem_shared>> -> memref<632x8xf32, #tpu.memory_space<vmem_shared>>
      %dma_start3A_227 = arith.constant 0 : i32
      %dma_start3A_228 = tpu.memref_slice %arg2[%mul3A_6, %dma_start3A_227] : memref<10112x8xf32, #tpu.memory_space<hbm>> -> memref<632x8xf32, #tpu.memory_space<hbm>>
      tpu.enqueue_dma source(%dma_start3A_228 : memref<632x8xf32, #tpu.memory_space<hbm>>) target(%dma_start3A_226 : memref<632x8xf32, #tpu.memory_space<vmem_shared>>) target_semaphore(%run_scoped3A : memref<!tpu.dma_semaphore, #tpu.memory_space<semaphore_mem>>)
      %dma_wait3A_229 = arith.constant 0 : i32
      %dma_wait3A_230 = tpu.memref_slice %arg10[%mul3A_8, %dma_wait3A_229] : memref<10112x8xf32, #tpu.memory_space<vmem_shared>> -> memref<632x8xf32, #tpu.memory_space<vmem_shared>>
      %dma_wait3A_231 = arith.constant 0 : i32
      %dma_wait3A_232 = tpu.memref_slice %arg2[%mul3A_6, %dma_wait3A_231] : memref<10112x8xf32, #tpu.memory_space<hbm>> -> memref<632x8xf32, #tpu.memory_space<hbm>>
      tpu.wait_dma2 semaphore(%run_scoped3A : memref<!tpu.dma_semaphore, #tpu.memory_space<semaphore_mem>>) src(%dma_wait3A_232 : memref<632x8xf32, #tpu.memory_space<hbm>>) dst(%dma_wait3A_230 : memref<632x8xf32, #tpu.memory_space<vmem_shared>>)
      tpu.yield
    }) : () -> ()
    "tpu.region"() ({
      %run_scoped3A = tpu.sem_alloc : memref<!tpu.dma_semaphore, #tpu.memory_space<semaphore_mem>>
      %dma_start3A_225 = arith.constant 0 : i32
      %dma_start3A_226 = arith.constant 0 : i32
      %dma_start3A_227 = tpu.memref_slice %arg3[%add3A, %dma_start3A_225, %dma_start3A_226] : memref<32x79x128xi32, #tpu.memory_space<hbm>> -> memref<1x79x128xi32, #tpu.memory_space<hbm>>
      %dma_start3A_228 = tpu.memref_squeeze %dma_start3A_227 : memref<1x79x128xi32, #tpu.memory_space<hbm>> -> memref<79x128xi32, #tpu.memory_space<hbm>>
      %dma_start3A_229 = arith.constant 0 : i32
      %dma_start3A_230 = arith.constant 0 : i32
      %dma_start3A_231 = tpu.memref_slice %arg3[%add3A, %dma_start3A_229, %dma_start3A_230] : memref<32x79x128xi32, #tpu.memory_space<hbm>> -> memref<1x79x128xi32, #tpu.memory_space<hbm>>
      %dma_start3A_232 = tpu.memref_squeeze %dma_start3A_231 : memref<1x79x128xi32, #tpu.memory_space<hbm>> -> memref<79x128xi32, #tpu.memory_space<hbm>>
      tpu.enqueue_dma source(%dma_start3A_232 : memref<79x128xi32, #tpu.memory_space<hbm>>) target(%arg7 : memref<79x128xi32, #tpu.memory_space<vmem>>) target_semaphore(%run_scoped3A : memref<!tpu.dma_semaphore, #tpu.memory_space<semaphore_mem>>)
      %dma_wait3A_233 = arith.constant 0 : i32
      %dma_wait3A_234 = arith.constant 0 : i32
      %dma_wait3A_235 = tpu.memref_slice %arg3[%add3A, %dma_wait3A_233, %dma_wait3A_234] : memref<32x79x128xi32, #tpu.memory_space<hbm>> -> memref<1x79x128xi32, #tpu.memory_space<hbm>>
      %dma_wait3A_236 = tpu.memref_squeeze %dma_wait3A_235 : memref<1x79x128xi32, #tpu.memory_space<hbm>> -> memref<79x128xi32, #tpu.memory_space<hbm>>
      %dma_wait3A_237 = arith.constant 0 : i32
      %dma_wait3A_238 = arith.constant 0 : i32
      %dma_wait3A_239 = tpu.memref_slice %arg3[%add3A, %dma_wait3A_237, %dma_wait3A_238] : memref<32x79x128xi32, #tpu.memory_space<hbm>> -> memref<1x79x128xi32, #tpu.memory_space<hbm>>
      %dma_wait3A_240 = tpu.memref_squeeze %dma_wait3A_239 : memref<1x79x128xi32, #tpu.memory_space<hbm>> -> memref<79x128xi32, #tpu.memory_space<hbm>>
      tpu.wait_dma2 semaphore(%run_scoped3A : memref<!tpu.dma_semaphore, #tpu.memory_space<semaphore_mem>>) src(%dma_wait3A_240 : memref<79x128xi32, #tpu.memory_space<hbm>>) dst(%arg7 : memref<79x128xi32, #tpu.memory_space<vmem>>)
      tpu.yield
    }) : () -> ()
    "tpu.region"() ({
      %run_scoped3A = tpu.sem_alloc : memref<!tpu.dma_semaphore, #tpu.memory_space<semaphore_mem>>
      %dma_start3A_225 = arith.constant 0 : i32
      %dma_start3A_226 = arith.constant 0 : i32
      %dma_start3A_227 = tpu.memref_slice %arg4[%add3A, %dma_start3A_225, %dma_start3A_226] : memref<32x79x128xi32, #tpu.memory_space<hbm>> -> memref<1x79x128xi32, #tpu.memory_space<hbm>>
      %dma_start3A_228 = tpu.memref_squeeze %dma_start3A_227 : memref<1x79x128xi32, #tpu.memory_space<hbm>> -> memref<79x128xi32, #tpu.memory_space<hbm>>
      %dma_start3A_229 = arith.constant 0 : i32
      %dma_start3A_230 = arith.constant 0 : i32
      %dma_start3A_231 = tpu.memref_slice %arg4[%add3A, %dma_start3A_229, %dma_start3A_230] : memref<32x79x128xi32, #tpu.memory_space<hbm>> -> memref<1x79x128xi32, #tpu.memory_space<hbm>>
      %dma_start3A_232 = tpu.memref_squeeze %dma_start3A_231 : memref<1x79x128xi32, #tpu.memory_space<hbm>> -> memref<79x128xi32, #tpu.memory_space<hbm>>
      tpu.enqueue_dma source(%dma_start3A_232 : memref<79x128xi32, #tpu.memory_space<hbm>>) target(%arg8 : memref<79x128xi32, #tpu.memory_space<vmem>>) target_semaphore(%run_scoped3A : memref<!tpu.dma_semaphore, #tpu.memory_space<semaphore_mem>>)
      %dma_wait3A_233 = arith.constant 0 : i32
      %dma_wait3A_234 = arith.constant 0 : i32
      %dma_wait3A_235 = tpu.memref_slice %arg4[%add3A, %dma_wait3A_233, %dma_wait3A_234] : memref<32x79x128xi32, #tpu.memory_space<hbm>> -> memref<1x79x128xi32, #tpu.memory_space<hbm>>
      %dma_wait3A_236 = tpu.memref_squeeze %dma_wait3A_235 : memref<1x79x128xi32, #tpu.memory_space<hbm>> -> memref<79x128xi32, #tpu.memory_space<hbm>>
      %dma_wait3A_237 = arith.constant 0 : i32
      %dma_wait3A_238 = arith.constant 0 : i32
      %dma_wait3A_239 = tpu.memref_slice %arg4[%add3A, %dma_wait3A_237, %dma_wait3A_238] : memref<32x79x128xi32, #tpu.memory_space<hbm>> -> memref<1x79x128xi32, #tpu.memory_space<hbm>>
      %dma_wait3A_240 = tpu.memref_squeeze %dma_wait3A_239 : memref<1x79x128xi32, #tpu.memory_space<hbm>> -> memref<79x128xi32, #tpu.memory_space<hbm>>
      tpu.wait_dma2 semaphore(%run_scoped3A : memref<!tpu.dma_semaphore, #tpu.memory_space<semaphore_mem>>) src(%dma_wait3A_240 : memref<79x128xi32, #tpu.memory_space<hbm>>) dst(%arg8 : memref<79x128xi32, #tpu.memory_space<vmem>>)
      tpu.yield
    }) : () -> ()
    %barrier3A = arith.constant 0 : index
    tpu.barrier barrier_id(%barrier3A)
    %rem3A = arith.constant 0 : i32
    %rem3A_9 = arith.constant 6 : i32
    %rem3A_10 = arith.remsi %rem3A, %rem3A_9 : i32
    %rem3A_11 = arith.constant 0 : i32
    %rem3A_12 = arith.constant 6 : i32
    %rem3A_13 = arith.remsi %rem3A_11, %rem3A_12 : i32
    %dma_start3A = arith.constant 0 : i32
    %dma_start3A_14 = arith.constant 0 : i32
    %dma_start3A_15 = arith.constant 0 : i32
    %dma_start3A_16 = tpu.memref_slice %arg9[%rem3A_10, %dma_start3A_14, %dma_start3A_15] : memref<6x128x8xf32, #tpu.memory_space<vmem>> -> memref<1x128x8xf32, #tpu.memory_space<vmem>>
    %dma_start3A_17 = tpu.memref_squeeze %dma_start3A_16 : memref<1x128x8xf32, #tpu.memory_space<vmem>> -> memref<128x8xf32, #tpu.memory_space<vmem>>
    %dma_start3A_18 = arith.constant 0 : i32
    %dma_start3A_19 = tpu.memref_slice %arg7[%dma_start3A, %dma_start3A_18] : memref<79x128xi32, #tpu.memory_space<vmem>> -> memref<1x128xi32, #tpu.memory_space<vmem>>
    %dma_start3A_20 = tpu.memref_squeeze %dma_start3A_19 : memref<1x128xi32, #tpu.memory_space<vmem>> -> memref<128xi32, #tpu.memory_space<vmem>>
    %dma_start3A_21 = arith.constant 0 : i32
    %dma_start3A_22 = arith.constant 0 : i32
    %dma_start3A_23 = tpu.memref_slice %arg10[%dma_start3A_21, %dma_start3A_22] : memref<10112x8xf32, #tpu.memory_space<vmem_shared>> -> memref<10112x8xf32, #tpu.memory_space<vmem_shared>>
    %dma_start3A_24 = tpu.memref_slice %arg12[%rem3A_13] : memref<6x!tpu.dma_semaphore, #tpu.memory_space<semaphore_mem>> -> memref<1x!tpu.dma_semaphore, #tpu.memory_space<semaphore_mem>>
    %dma_start3A_25 = tpu.memref_squeeze %dma_start3A_24 : memref<1x!tpu.dma_semaphore, #tpu.memory_space<semaphore_mem>> -> memref<!tpu.dma_semaphore, #tpu.memory_space<semaphore_mem>>
    tpu.enqueue_indirect_dma source(%dma_start3A_23 : memref<10112x8xf32, #tpu.memory_space<vmem_shared>>) target(%dma_start3A_17 : memref<128x8xf32, #tpu.memory_space<vmem>>) offsets(%dma_start3A_20 : memref<128xi32, #tpu.memory_space<vmem>>) semaphore(%dma_start3A_25 : memref<!tpu.dma_semaphore, #tpu.memory_space<semaphore_mem>>)
    %rem3A_26 = arith.constant 1 : i32
    %rem3A_27 = arith.constant 6 : i32
    %rem3A_28 = arith.remsi %rem3A_26, %rem3A_27 : i32
    %rem3A_29 = arith.constant 1 : i32
    %rem3A_30 = arith.constant 6 : i32
    %rem3A_31 = arith.remsi %rem3A_29, %rem3A_30 : i32
    %dma_start3A_32 = arith.constant 1 : i32
    %dma_start3A_33 = arith.constant 0 : i32
    %dma_start3A_34 = arith.constant 0 : i32
    %dma_start3A_35 = tpu.memref_slice %arg9[%rem3A_28, %dma_start3A_33, %dma_start3A_34] : memref<6x128x8xf32, #tpu.memory_space<vmem>> -> memref<1x128x8xf32, #tpu.memory_space<vmem>>
    %dma_start3A_36 = tpu.memref_squeeze %dma_start3A_35 : memref<1x128x8xf32, #tpu.memory_space<vmem>> -> memref<128x8xf32, #tpu.memory_space<vmem>>
    %dma_start3A_37 = arith.constant 0 : i32
    %dma_start3A_38 = tpu.memref_slice %arg7[%dma_start3A_32, %dma_start3A_37] : memref<79x128xi32, #tpu.memory_space<vmem>> -> memref<1x128xi32, #tpu.memory_space<vmem>>
    %dma_start3A_39 = tpu.memref_squeeze %dma_start3A_38 : memref<1x128xi32, #tpu.memory_space<vmem>> -> memref<128xi32, #tpu.memory_space<vmem>>
    %dma_start3A_40 = arith.constant 0 : i32
    %dma_start3A_41 = arith.constant 0 : i32
    %dma_start3A_42 = tpu.memref_slice %arg10[%dma_start3A_40, %dma_start3A_41] : memref<10112x8xf32, #tpu.memory_space<vmem_shared>> -> memref<10112x8xf32, #tpu.memory_space<vmem_shared>>
    %dma_start3A_43 = tpu.memref_slice %arg12[%rem3A_31] : memref<6x!tpu.dma_semaphore, #tpu.memory_space<semaphore_mem>> -> memref<1x!tpu.dma_semaphore, #tpu.memory_space<semaphore_mem>>
    %dma_start3A_44 = tpu.memref_squeeze %dma_start3A_43 : memref<1x!tpu.dma_semaphore, #tpu.memory_space<semaphore_mem>> -> memref<!tpu.dma_semaphore, #tpu.memory_space<semaphore_mem>>
    tpu.enqueue_indirect_dma source(%dma_start3A_42 : memref<10112x8xf32, #tpu.memory_space<vmem_shared>>) target(%dma_start3A_36 : memref<128x8xf32, #tpu.memory_space<vmem>>) offsets(%dma_start3A_39 : memref<128xi32, #tpu.memory_space<vmem>>) semaphore(%dma_start3A_44 : memref<!tpu.dma_semaphore, #tpu.memory_space<semaphore_mem>>)
    %rem3A_45 = arith.constant 2 : i32
    %rem3A_46 = arith.constant 6 : i32
    %rem3A_47 = arith.remsi %rem3A_45, %rem3A_46 : i32
    %rem3A_48 = arith.constant 2 : i32
    %rem3A_49 = arith.constant 6 : i32
    %rem3A_50 = arith.remsi %rem3A_48, %rem3A_49 : i32
    %dma_start3A_51 = arith.constant 2 : i32
    %dma_start3A_52 = arith.constant 0 : i32
    %dma_start3A_53 = arith.constant 0 : i32
    %dma_start3A_54 = tpu.memref_slice %arg9[%rem3A_47, %dma_start3A_52, %dma_start3A_53] : memref<6x128x8xf32, #tpu.memory_space<vmem>> -> memref<1x128x8xf32, #tpu.memory_space<vmem>>
    %dma_start3A_55 = tpu.memref_squeeze %dma_start3A_54 : memref<1x128x8xf32, #tpu.memory_space<vmem>> -> memref<128x8xf32, #tpu.memory_space<vmem>>
    %dma_start3A_56 = arith.constant 0 : i32
    %dma_start3A_57 = tpu.memref_slice %arg7[%dma_start3A_51, %dma_start3A_56] : memref<79x128xi32, #tpu.memory_space<vmem>> -> memref<1x128xi32, #tpu.memory_space<vmem>>
    %dma_start3A_58 = tpu.memref_squeeze %dma_start3A_57 : memref<1x128xi32, #tpu.memory_space<vmem>> -> memref<128xi32, #tpu.memory_space<vmem>>
    %dma_start3A_59 = arith.constant 0 : i32
    %dma_start3A_60 = arith.constant 0 : i32
    %dma_start3A_61 = tpu.memref_slice %arg10[%dma_start3A_59, %dma_start3A_60] : memref<10112x8xf32, #tpu.memory_space<vmem_shared>> -> memref<10112x8xf32, #tpu.memory_space<vmem_shared>>
    %dma_start3A_62 = tpu.memref_slice %arg12[%rem3A_50] : memref<6x!tpu.dma_semaphore, #tpu.memory_space<semaphore_mem>> -> memref<1x!tpu.dma_semaphore, #tpu.memory_space<semaphore_mem>>
    %dma_start3A_63 = tpu.memref_squeeze %dma_start3A_62 : memref<1x!tpu.dma_semaphore, #tpu.memory_space<semaphore_mem>> -> memref<!tpu.dma_semaphore, #tpu.memory_space<semaphore_mem>>
    tpu.enqueue_indirect_dma source(%dma_start3A_61 : memref<10112x8xf32, #tpu.memory_space<vmem_shared>>) target(%dma_start3A_55 : memref<128x8xf32, #tpu.memory_space<vmem>>) offsets(%dma_start3A_58 : memref<128xi32, #tpu.memory_space<vmem>>) semaphore(%dma_start3A_63 : memref<!tpu.dma_semaphore, #tpu.memory_space<semaphore_mem>>)
    %rem3A_64 = arith.constant 3 : i32
    %rem3A_65 = arith.constant 6 : i32
    %rem3A_66 = arith.remsi %rem3A_64, %rem3A_65 : i32
    %rem3A_67 = arith.constant 3 : i32
    %rem3A_68 = arith.constant 6 : i32
    %rem3A_69 = arith.remsi %rem3A_67, %rem3A_68 : i32
    %dma_start3A_70 = arith.constant 3 : i32
    %dma_start3A_71 = arith.constant 0 : i32
    %dma_start3A_72 = arith.constant 0 : i32
    %dma_start3A_73 = tpu.memref_slice %arg9[%rem3A_66, %dma_start3A_71, %dma_start3A_72] : memref<6x128x8xf32, #tpu.memory_space<vmem>> -> memref<1x128x8xf32, #tpu.memory_space<vmem>>
    %dma_start3A_74 = tpu.memref_squeeze %dma_start3A_73 : memref<1x128x8xf32, #tpu.memory_space<vmem>> -> memref<128x8xf32, #tpu.memory_space<vmem>>
    %dma_start3A_75 = arith.constant 0 : i32
    %dma_start3A_76 = tpu.memref_slice %arg7[%dma_start3A_70, %dma_start3A_75] : memref<79x128xi32, #tpu.memory_space<vmem>> -> memref<1x128xi32, #tpu.memory_space<vmem>>
    %dma_start3A_77 = tpu.memref_squeeze %dma_start3A_76 : memref<1x128xi32, #tpu.memory_space<vmem>> -> memref<128xi32, #tpu.memory_space<vmem>>
    %dma_start3A_78 = arith.constant 0 : i32
    %dma_start3A_79 = arith.constant 0 : i32
    %dma_start3A_80 = tpu.memref_slice %arg10[%dma_start3A_78, %dma_start3A_79] : memref<10112x8xf32, #tpu.memory_space<vmem_shared>> -> memref<10112x8xf32, #tpu.memory_space<vmem_shared>>
    %dma_start3A_81 = tpu.memref_slice %arg12[%rem3A_69] : memref<6x!tpu.dma_semaphore, #tpu.memory_space<semaphore_mem>> -> memref<1x!tpu.dma_semaphore, #tpu.memory_space<semaphore_mem>>
    %dma_start3A_82 = tpu.memref_squeeze %dma_start3A_81 : memref<1x!tpu.dma_semaphore, #tpu.memory_space<semaphore_mem>> -> memref<!tpu.dma_semaphore, #tpu.memory_space<semaphore_mem>>
    tpu.enqueue_indirect_dma source(%dma_start3A_80 : memref<10112x8xf32, #tpu.memory_space<vmem_shared>>) target(%dma_start3A_74 : memref<128x8xf32, #tpu.memory_space<vmem>>) offsets(%dma_start3A_77 : memref<128xi32, #tpu.memory_space<vmem>>) semaphore(%dma_start3A_82 : memref<!tpu.dma_semaphore, #tpu.memory_space<semaphore_mem>>)
    %rem3A_83 = arith.constant 4 : i32
    %rem3A_84 = arith.constant 6 : i32
    %rem3A_85 = arith.remsi %rem3A_83, %rem3A_84 : i32
    %rem3A_86 = arith.constant 4 : i32
    %rem3A_87 = arith.constant 6 : i32
    %rem3A_88 = arith.remsi %rem3A_86, %rem3A_87 : i32
    %dma_start3A_89 = arith.constant 4 : i32
    %dma_start3A_90 = arith.constant 0 : i32
    %dma_start3A_91 = arith.constant 0 : i32
    %dma_start3A_92 = tpu.memref_slice %arg9[%rem3A_85, %dma_start3A_90, %dma_start3A_91] : memref<6x128x8xf32, #tpu.memory_space<vmem>> -> memref<1x128x8xf32, #tpu.memory_space<vmem>>
    %dma_start3A_93 = tpu.memref_squeeze %dma_start3A_92 : memref<1x128x8xf32, #tpu.memory_space<vmem>> -> memref<128x8xf32, #tpu.memory_space<vmem>>
    %dma_start3A_94 = arith.constant 0 : i32
    %dma_start3A_95 = tpu.memref_slice %arg7[%dma_start3A_89, %dma_start3A_94] : memref<79x128xi32, #tpu.memory_space<vmem>> -> memref<1x128xi32, #tpu.memory_space<vmem>>
    %dma_start3A_96 = tpu.memref_squeeze %dma_start3A_95 : memref<1x128xi32, #tpu.memory_space<vmem>> -> memref<128xi32, #tpu.memory_space<vmem>>
    %dma_start3A_97 = arith.constant 0 : i32
    %dma_start3A_98 = arith.constant 0 : i32
    %dma_start3A_99 = tpu.memref_slice %arg10[%dma_start3A_97, %dma_start3A_98] : memref<10112x8xf32, #tpu.memory_space<vmem_shared>> -> memref<10112x8xf32, #tpu.memory_space<vmem_shared>>
    %dma_start3A_100 = tpu.memref_slice %arg12[%rem3A_88] : memref<6x!tpu.dma_semaphore, #tpu.memory_space<semaphore_mem>> -> memref<1x!tpu.dma_semaphore, #tpu.memory_space<semaphore_mem>>
    %dma_start3A_101 = tpu.memref_squeeze %dma_start3A_100 : memref<1x!tpu.dma_semaphore, #tpu.memory_space<semaphore_mem>> -> memref<!tpu.dma_semaphore, #tpu.memory_space<semaphore_mem>>
    tpu.enqueue_indirect_dma source(%dma_start3A_99 : memref<10112x8xf32, #tpu.memory_space<vmem_shared>>) target(%dma_start3A_93 : memref<128x8xf32, #tpu.memory_space<vmem>>) offsets(%dma_start3A_96 : memref<128xi32, #tpu.memory_space<vmem>>) semaphore(%dma_start3A_101 : memref<!tpu.dma_semaphore, #tpu.memory_space<semaphore_mem>>)
    %scan3A = arith.constant 0 : i32
    %scan3A_102 = arith.constant 0 : i32
    %scan3A_103 = arith.constant 79 : i32
    %scan3A_104 = arith.addi %scan3A_102, %scan3A_103 : i32
    %scan3A_105 = arith.constant 1 : i32
    scf.for %scan3A_225 = %scan3A_102 to %scan3A_104 step %scan3A_105  : i32 {
      %rem3A_226 = arith.constant 6 : i32
      %rem3A_227 = arith.remsi %scan3A_225, %rem3A_226 : i32
      %rem3A_228 = arith.constant 6 : i32
      %rem3A_229 = arith.remsi %scan3A_225, %rem3A_228 : i32
      %dma_wait3A_230 = arith.constant 0 : i32
      %dma_wait3A_231 = arith.constant 0 : i32
      %dma_wait3A_232 = tpu.memref_slice %arg9[%rem3A_227, %dma_wait3A_230, %dma_wait3A_231] : memref<6x128x8xf32, #tpu.memory_space<vmem>> -> memref<1x128x8xf32, #tpu.memory_space<vmem>>
      %dma_wait3A_233 = tpu.memref_squeeze %dma_wait3A_232 : memref<1x128x8xf32, #tpu.memory_space<vmem>> -> memref<128x8xf32, #tpu.memory_space<vmem>>
      %dma_wait3A_234 = arith.constant 0 : i32
      %dma_wait3A_235 = tpu.memref_slice %arg7[%scan3A_225, %dma_wait3A_234] : memref<79x128xi32, #tpu.memory_space<vmem>> -> memref<1x128xi32, #tpu.memory_space<vmem>>
      %dma_wait3A_236 = tpu.memref_squeeze %dma_wait3A_235 : memref<1x128xi32, #tpu.memory_space<vmem>> -> memref<128xi32, #tpu.memory_space<vmem>>
      %dma_wait3A_237 = arith.constant 0 : i32
      %dma_wait3A_238 = arith.constant 0 : i32
      %dma_wait3A_239 = tpu.memref_slice %arg10[%dma_wait3A_237, %dma_wait3A_238] : memref<10112x8xf32, #tpu.memory_space<vmem_shared>> -> memref<10112x8xf32, #tpu.memory_space<vmem_shared>>
      %dma_wait3A_240 = tpu.memref_slice %arg12[%rem3A_229] : memref<6x!tpu.dma_semaphore, #tpu.memory_space<semaphore_mem>> -> memref<1x!tpu.dma_semaphore, #tpu.memory_space<semaphore_mem>>
      %dma_wait3A_241 = tpu.memref_squeeze %dma_wait3A_240 : memref<1x!tpu.dma_semaphore, #tpu.memory_space<semaphore_mem>> -> memref<!tpu.dma_semaphore, #tpu.memory_space<semaphore_mem>>
      tpu.wait_indirect_dma semaphore(%dma_wait3A_241 : memref<!tpu.dma_semaphore, #tpu.memory_space<semaphore_mem>>) src(%dma_wait3A_239 : memref<10112x8xf32, #tpu.memory_space<vmem_shared>>) dst(%dma_wait3A_233 : memref<128x8xf32, #tpu.memory_space<vmem>>)
      %rem3A_242 = arith.constant 6 : i32
      %rem3A_243 = arith.remsi %scan3A_225, %rem3A_242 : i32
      %rem3A_244 = arith.constant 6 : i32
      %rem3A_245 = arith.remsi %scan3A_225, %rem3A_244 : i32
      %dma_start3A_246 = arith.constant 0 : i32
      %dma_start3A_247 = arith.constant 0 : i32
      %dma_start3A_248 = tpu.memref_slice %arg9[%rem3A_243, %dma_start3A_246, %dma_start3A_247] : memref<6x128x8xf32, #tpu.memory_space<vmem>> -> memref<1x128x8xf32, #tpu.memory_space<vmem>>
      %dma_start3A_249 = tpu.memref_squeeze %dma_start3A_248 : memref<1x128x8xf32, #tpu.memory_space<vmem>> -> memref<128x8xf32, #tpu.memory_space<vmem>>
      %dma_start3A_250 = arith.constant 0 : i32
      %dma_start3A_251 = tpu.memref_slice %arg8[%scan3A_225, %dma_start3A_250] : memref<79x128xi32, #tpu.memory_space<vmem>> -> memref<1x128xi32, #tpu.memory_space<vmem>>
      %dma_start3A_252 = tpu.memref_squeeze %dma_start3A_251 : memref<1x128xi32, #tpu.memory_space<vmem>> -> memref<128xi32, #tpu.memory_space<vmem>>
      %dma_start3A_253 = arith.constant 0 : i32
      %dma_start3A_254 = arith.constant 0 : i32
      %dma_start3A_255 = tpu.memref_slice %arg11[%dma_start3A_253, %dma_start3A_254] : memref<10112x8xf32, #tpu.memory_space<vmem_shared>> -> memref<10112x8xf32, #tpu.memory_space<vmem_shared>>
      %dma_start3A_256 = tpu.memref_slice %arg13[%rem3A_245] : memref<6x!tpu.dma_semaphore, #tpu.memory_space<semaphore_mem>> -> memref<1x!tpu.dma_semaphore, #tpu.memory_space<semaphore_mem>>
      %dma_start3A_257 = tpu.memref_squeeze %dma_start3A_256 : memref<1x!tpu.dma_semaphore, #tpu.memory_space<semaphore_mem>> -> memref<!tpu.dma_semaphore, #tpu.memory_space<semaphore_mem>>
      tpu.enqueue_indirect_dma source(%dma_start3A_249 : memref<128x8xf32, #tpu.memory_space<vmem>>) target(%dma_start3A_255 : memref<10112x8xf32, #tpu.memory_space<vmem_shared>>) offsets(%dma_start3A_252 : memref<128xi32, #tpu.memory_space<vmem>>) semaphore(%dma_start3A_257 : memref<!tpu.dma_semaphore, #tpu.memory_space<semaphore_mem>>) {add = true}
      %add3A_258 = arith.constant 6 : i32
      %add3A_259 = arith.addi %scan3A_225, %add3A_258 : i32
      %sub3A = arith.constant 1 : i32
      %sub3A_260 = arith.subi %add3A_259, %sub3A : i32
      %lt3A = arith.constant 79 : i32
      %lt3A_261 = arith.cmpi slt, %sub3A_260, %lt3A : i32
      %convert_element_type3A = arith.extui %lt3A_261 : i1 to i32
      %cond3A = arith.constant 0 : i32
      %cond3A_262 = arith.cmpi ne, %convert_element_type3A, %cond3A : i32
      scf.if %cond3A_262 {
        %ge3A = arith.constant 1 : i32
        %ge3A_263 = arith.cmpi sge, %scan3A_225, %ge3A : i32
        %convert_element_type3A_264 = arith.extui %ge3A_263 : i1 to i32
        %cond3A_265 = arith.constant 0 : i32
        %cond3A_266 = arith.cmpi ne, %convert_element_type3A_264, %cond3A_265 : i32
        scf.if %cond3A_266 {
          %sub3A_287 = arith.constant 1 : i32
          %sub3A_288 = arith.subi %scan3A_225, %sub3A_287 : i32
          %rem3A_289 = arith.constant 6 : i32
          %rem3A_290 = arith.remsi %sub3A_288, %rem3A_289 : i32
          %rem3A_291 = arith.constant 6 : i32
          %rem3A_292 = arith.remsi %sub3A_288, %rem3A_291 : i32
          %dma_wait3A_293 = arith.constant 0 : i32
          %dma_wait3A_294 = arith.constant 0 : i32
          %dma_wait3A_295 = tpu.memref_slice %arg9[%rem3A_290, %dma_wait3A_293, %dma_wait3A_294] : memref<6x128x8xf32, #tpu.memory_space<vmem>> -> memref<1x128x8xf32, #tpu.memory_space<vmem>>
          %dma_wait3A_296 = tpu.memref_squeeze %dma_wait3A_295 : memref<1x128x8xf32, #tpu.memory_space<vmem>> -> memref<128x8xf32, #tpu.memory_space<vmem>>
          %dma_wait3A_297 = arith.constant 0 : i32
          %dma_wait3A_298 = tpu.memref_slice %arg8[%sub3A_288, %dma_wait3A_297] : memref<79x128xi32, #tpu.memory_space<vmem>> -> memref<1x128xi32, #tpu.memory_space<vmem>>
          %dma_wait3A_299 = tpu.memref_squeeze %dma_wait3A_298 : memref<1x128xi32, #tpu.memory_space<vmem>> -> memref<128xi32, #tpu.memory_space<vmem>>
          %dma_wait3A_300 = arith.constant 0 : i32
          %dma_wait3A_301 = arith.constant 0 : i32
          %dma_wait3A_302 = tpu.memref_slice %arg11[%dma_wait3A_300, %dma_wait3A_301] : memref<10112x8xf32, #tpu.memory_space<vmem_shared>> -> memref<10112x8xf32, #tpu.memory_space<vmem_shared>>
          %dma_wait3A_303 = tpu.memref_slice %arg13[%rem3A_292] : memref<6x!tpu.dma_semaphore, #tpu.memory_space<semaphore_mem>> -> memref<1x!tpu.dma_semaphore, #tpu.memory_space<semaphore_mem>>
          %dma_wait3A_304 = tpu.memref_squeeze %dma_wait3A_303 : memref<1x!tpu.dma_semaphore, #tpu.memory_space<semaphore_mem>> -> memref<!tpu.dma_semaphore, #tpu.memory_space<semaphore_mem>>
          tpu.wait_indirect_dma semaphore(%dma_wait3A_304 : memref<!tpu.dma_semaphore, #tpu.memory_space<semaphore_mem>>) src(%dma_wait3A_296 : memref<128x8xf32, #tpu.memory_space<vmem>>) dst(%dma_wait3A_302 : memref<10112x8xf32, #tpu.memory_space<vmem_shared>>)
        } else {
        }
        %add3A_267 = arith.constant 6 : i32
        %add3A_268 = arith.addi %scan3A_225, %add3A_267 : i32
        %sub3A_269 = arith.constant 1 : i32
        %sub3A_270 = arith.subi %add3A_268, %sub3A_269 : i32
        %rem3A_271 = arith.constant 6 : i32
        %rem3A_272 = arith.remsi %sub3A_270, %rem3A_271 : i32
        %rem3A_273 = arith.constant 6 : i32
        %rem3A_274 = arith.remsi %sub3A_270, %rem3A_273 : i32
        %dma_start3A_275 = arith.constant 0 : i32
        %dma_start3A_276 = arith.constant 0 : i32
        %dma_start3A_277 = tpu.memref_slice %arg9[%rem3A_272, %dma_start3A_275, %dma_start3A_276] : memref<6x128x8xf32, #tpu.memory_space<vmem>> -> memref<1x128x8xf32, #tpu.memory_space<vmem>>
        %dma_start3A_278 = tpu.memref_squeeze %dma_start3A_277 : memref<1x128x8xf32, #tpu.memory_space<vmem>> -> memref<128x8xf32, #tpu.memory_space<vmem>>
        %dma_start3A_279 = arith.constant 0 : i32
        %dma_start3A_280 = tpu.memref_slice %arg7[%sub3A_270, %dma_start3A_279] : memref<79x128xi32, #tpu.memory_space<vmem>> -> memref<1x128xi32, #tpu.memory_space<vmem>>
        %dma_start3A_281 = tpu.memref_squeeze %dma_start3A_280 : memref<1x128xi32, #tpu.memory_space<vmem>> -> memref<128xi32, #tpu.memory_space<vmem>>
        %dma_start3A_282 = arith.constant 0 : i32
        %dma_start3A_283 = arith.constant 0 : i32
        %dma_start3A_284 = tpu.memref_slice %arg10[%dma_start3A_282, %dma_start3A_283] : memref<10112x8xf32, #tpu.memory_space<vmem_shared>> -> memref<10112x8xf32, #tpu.memory_space<vmem_shared>>
        %dma_start3A_285 = tpu.memref_slice %arg12[%rem3A_274] : memref<6x!tpu.dma_semaphore, #tpu.memory_space<semaphore_mem>> -> memref<1x!tpu.dma_semaphore, #tpu.memory_space<semaphore_mem>>
        %dma_start3A_286 = tpu.memref_squeeze %dma_start3A_285 : memref<1x!tpu.dma_semaphore, #tpu.memory_space<semaphore_mem>> -> memref<!tpu.dma_semaphore, #tpu.memory_space<semaphore_mem>>
        tpu.enqueue_indirect_dma source(%dma_start3A_284 : memref<10112x8xf32, #tpu.memory_space<vmem_shared>>) target(%dma_start3A_278 : memref<128x8xf32, #tpu.memory_space<vmem>>) offsets(%dma_start3A_281 : memref<128xi32, #tpu.memory_space<vmem>>) semaphore(%dma_start3A_286 : memref<!tpu.dma_semaphore, #tpu.memory_space<semaphore_mem>>)
      } else {
      }
    }
    %scan3A_106 = arith.constant 79 : i32
    %rem3A_107 = arith.constant 73 : i32
    %rem3A_108 = arith.constant 6 : i32
    %rem3A_109 = arith.remsi %rem3A_107, %rem3A_108 : i32
    %rem3A_110 = arith.constant 73 : i32
    %rem3A_111 = arith.constant 6 : i32
    %rem3A_112 = arith.remsi %rem3A_110, %rem3A_111 : i32
    %dma_wait3A = arith.constant 73 : i32
    %dma_wait3A_113 = arith.constant 0 : i32
    %dma_wait3A_114 = arith.constant 0 : i32
    %dma_wait3A_115 = tpu.memref_slice %arg9[%rem3A_109, %dma_wait3A_113, %dma_wait3A_114] : memref<6x128x8xf32, #tpu.memory_space<vmem>> -> memref<1x128x8xf32, #tpu.memory_space<vmem>>
    %dma_wait3A_116 = tpu.memref_squeeze %dma_wait3A_115 : memref<1x128x8xf32, #tpu.memory_space<vmem>> -> memref<128x8xf32, #tpu.memory_space<vmem>>
    %dma_wait3A_117 = arith.constant 0 : i32
    %dma_wait3A_118 = tpu.memref_slice %arg8[%dma_wait3A, %dma_wait3A_117] : memref<79x128xi32, #tpu.memory_space<vmem>> -> memref<1x128xi32, #tpu.memory_space<vmem>>
    %dma_wait3A_119 = tpu.memref_squeeze %dma_wait3A_118 : memref<1x128xi32, #tpu.memory_space<vmem>> -> memref<128xi32, #tpu.memory_space<vmem>>
    %dma_wait3A_120 = arith.constant 0 : i32
    %dma_wait3A_121 = arith.constant 0 : i32
    %dma_wait3A_122 = tpu.memref_slice %arg11[%dma_wait3A_120, %dma_wait3A_121] : memref<10112x8xf32, #tpu.memory_space<vmem_shared>> -> memref<10112x8xf32, #tpu.memory_space<vmem_shared>>
    %dma_wait3A_123 = tpu.memref_slice %arg13[%rem3A_112] : memref<6x!tpu.dma_semaphore, #tpu.memory_space<semaphore_mem>> -> memref<1x!tpu.dma_semaphore, #tpu.memory_space<semaphore_mem>>
    %dma_wait3A_124 = tpu.memref_squeeze %dma_wait3A_123 : memref<1x!tpu.dma_semaphore, #tpu.memory_space<semaphore_mem>> -> memref<!tpu.dma_semaphore, #tpu.memory_space<semaphore_mem>>
    tpu.wait_indirect_dma semaphore(%dma_wait3A_124 : memref<!tpu.dma_semaphore, #tpu.memory_space<semaphore_mem>>) src(%dma_wait3A_116 : memref<128x8xf32, #tpu.memory_space<vmem>>) dst(%dma_wait3A_122 : memref<10112x8xf32, #tpu.memory_space<vmem_shared>>)
    %rem3A_125 = arith.constant 74 : i32
    %rem3A_126 = arith.constant 6 : i32
    %rem3A_127 = arith.remsi %rem3A_125, %rem3A_126 : i32
    %rem3A_128 = arith.constant 74 : i32
    %rem3A_129 = arith.constant 6 : i32
    %rem3A_130 = arith.remsi %rem3A_128, %rem3A_129 : i32
    %dma_wait3A_131 = arith.constant 74 : i32
    %dma_wait3A_132 = arith.constant 0 : i32
    %dma_wait3A_133 = arith.constant 0 : i32
    %dma_wait3A_134 = tpu.memref_slice %arg9[%rem3A_127, %dma_wait3A_132, %dma_wait3A_133] : memref<6x128x8xf32, #tpu.memory_space<vmem>> -> memref<1x128x8xf32, #tpu.memory_space<vmem>>
    %dma_wait3A_135 = tpu.memref_squeeze %dma_wait3A_134 : memref<1x128x8xf32, #tpu.memory_space<vmem>> -> memref<128x8xf32, #tpu.memory_space<vmem>>
    %dma_wait3A_136 = arith.constant 0 : i32
    %dma_wait3A_137 = tpu.memref_slice %arg8[%dma_wait3A_131, %dma_wait3A_136] : memref<79x128xi32, #tpu.memory_space<vmem>> -> memref<1x128xi32, #tpu.memory_space<vmem>>
    %dma_wait3A_138 = tpu.memref_squeeze %dma_wait3A_137 : memref<1x128xi32, #tpu.memory_space<vmem>> -> memref<128xi32, #tpu.memory_space<vmem>>
    %dma_wait3A_139 = arith.constant 0 : i32
    %dma_wait3A_140 = arith.constant 0 : i32
    %dma_wait3A_141 = tpu.memref_slice %arg11[%dma_wait3A_139, %dma_wait3A_140] : memref<10112x8xf32, #tpu.memory_space<vmem_shared>> -> memref<10112x8xf32, #tpu.memory_space<vmem_shared>>
    %dma_wait3A_142 = tpu.memref_slice %arg13[%rem3A_130] : memref<6x!tpu.dma_semaphore, #tpu.memory_space<semaphore_mem>> -> memref<1x!tpu.dma_semaphore, #tpu.memory_space<semaphore_mem>>
    %dma_wait3A_143 = tpu.memref_squeeze %dma_wait3A_142 : memref<1x!tpu.dma_semaphore, #tpu.memory_space<semaphore_mem>> -> memref<!tpu.dma_semaphore, #tpu.memory_space<semaphore_mem>>
    tpu.wait_indirect_dma semaphore(%dma_wait3A_143 : memref<!tpu.dma_semaphore, #tpu.memory_space<semaphore_mem>>) src(%dma_wait3A_135 : memref<128x8xf32, #tpu.memory_space<vmem>>) dst(%dma_wait3A_141 : memref<10112x8xf32, #tpu.memory_space<vmem_shared>>)
    %rem3A_144 = arith.constant 75 : i32
    %rem3A_145 = arith.constant 6 : i32
    %rem3A_146 = arith.remsi %rem3A_144, %rem3A_145 : i32
    %rem3A_147 = arith.constant 75 : i32
    %rem3A_148 = arith.constant 6 : i32
    %rem3A_149 = arith.remsi %rem3A_147, %rem3A_148 : i32
    %dma_wait3A_150 = arith.constant 75 : i32
    %dma_wait3A_151 = arith.constant 0 : i32
    %dma_wait3A_152 = arith.constant 0 : i32
    %dma_wait3A_153 = tpu.memref_slice %arg9[%rem3A_146, %dma_wait3A_151, %dma_wait3A_152] : memref<6x128x8xf32, #tpu.memory_space<vmem>> -> memref<1x128x8xf32, #tpu.memory_space<vmem>>
    %dma_wait3A_154 = tpu.memref_squeeze %dma_wait3A_153 : memref<1x128x8xf32, #tpu.memory_space<vmem>> -> memref<128x8xf32, #tpu.memory_space<vmem>>
    %dma_wait3A_155 = arith.constant 0 : i32
    %dma_wait3A_156 = tpu.memref_slice %arg8[%dma_wait3A_150, %dma_wait3A_155] : memref<79x128xi32, #tpu.memory_space<vmem>> -> memref<1x128xi32, #tpu.memory_space<vmem>>
    %dma_wait3A_157 = tpu.memref_squeeze %dma_wait3A_156 : memref<1x128xi32, #tpu.memory_space<vmem>> -> memref<128xi32, #tpu.memory_space<vmem>>
    %dma_wait3A_158 = arith.constant 0 : i32
    %dma_wait3A_159 = arith.constant 0 : i32
    %dma_wait3A_160 = tpu.memref_slice %arg11[%dma_wait3A_158, %dma_wait3A_159] : memref<10112x8xf32, #tpu.memory_space<vmem_shared>> -> memref<10112x8xf32, #tpu.memory_space<vmem_shared>>
    %dma_wait3A_161 = tpu.memref_slice %arg13[%rem3A_149] : memref<6x!tpu.dma_semaphore, #tpu.memory_space<semaphore_mem>> -> memref<1x!tpu.dma_semaphore, #tpu.memory_space<semaphore_mem>>
    %dma_wait3A_162 = tpu.memref_squeeze %dma_wait3A_161 : memref<1x!tpu.dma_semaphore, #tpu.memory_space<semaphore_mem>> -> memref<!tpu.dma_semaphore, #tpu.memory_space<semaphore_mem>>
    tpu.wait_indirect_dma semaphore(%dma_wait3A_162 : memref<!tpu.dma_semaphore, #tpu.memory_space<semaphore_mem>>) src(%dma_wait3A_154 : memref<128x8xf32, #tpu.memory_space<vmem>>) dst(%dma_wait3A_160 : memref<10112x8xf32, #tpu.memory_space<vmem_shared>>)
    %rem3A_163 = arith.constant 76 : i32
    %rem3A_164 = arith.constant 6 : i32
    %rem3A_165 = arith.remsi %rem3A_163, %rem3A_164 : i32
    %rem3A_166 = arith.constant 76 : i32
    %rem3A_167 = arith.constant 6 : i32
    %rem3A_168 = arith.remsi %rem3A_166, %rem3A_167 : i32
    %dma_wait3A_169 = arith.constant 76 : i32
    %dma_wait3A_170 = arith.constant 0 : i32
    %dma_wait3A_171 = arith.constant 0 : i32
    %dma_wait3A_172 = tpu.memref_slice %arg9[%rem3A_165, %dma_wait3A_170, %dma_wait3A_171] : memref<6x128x8xf32, #tpu.memory_space<vmem>> -> memref<1x128x8xf32, #tpu.memory_space<vmem>>
    %dma_wait3A_173 = tpu.memref_squeeze %dma_wait3A_172 : memref<1x128x8xf32, #tpu.memory_space<vmem>> -> memref<128x8xf32, #tpu.memory_space<vmem>>
    %dma_wait3A_174 = arith.constant 0 : i32
    %dma_wait3A_175 = tpu.memref_slice %arg8[%dma_wait3A_169, %dma_wait3A_174] : memref<79x128xi32, #tpu.memory_space<vmem>> -> memref<1x128xi32, #tpu.memory_space<vmem>>
    %dma_wait3A_176 = tpu.memref_squeeze %dma_wait3A_175 : memref<1x128xi32, #tpu.memory_space<vmem>> -> memref<128xi32, #tpu.memory_space<vmem>>
    %dma_wait3A_177 = arith.constant 0 : i32
    %dma_wait3A_178 = arith.constant 0 : i32
    %dma_wait3A_179 = tpu.memref_slice %arg11[%dma_wait3A_177, %dma_wait3A_178] : memref<10112x8xf32, #tpu.memory_space<vmem_shared>> -> memref<10112x8xf32, #tpu.memory_space<vmem_shared>>
    %dma_wait3A_180 = tpu.memref_slice %arg13[%rem3A_168] : memref<6x!tpu.dma_semaphore, #tpu.memory_space<semaphore_mem>> -> memref<1x!tpu.dma_semaphore, #tpu.memory_space<semaphore_mem>>
    %dma_wait3A_181 = tpu.memref_squeeze %dma_wait3A_180 : memref<1x!tpu.dma_semaphore, #tpu.memory_space<semaphore_mem>> -> memref<!tpu.dma_semaphore, #tpu.memory_space<semaphore_mem>>
    tpu.wait_indirect_dma semaphore(%dma_wait3A_181 : memref<!tpu.dma_semaphore, #tpu.memory_space<semaphore_mem>>) src(%dma_wait3A_173 : memref<128x8xf32, #tpu.memory_space<vmem>>) dst(%dma_wait3A_179 : memref<10112x8xf32, #tpu.memory_space<vmem_shared>>)
    %rem3A_182 = arith.constant 77 : i32
    %rem3A_183 = arith.constant 6 : i32
    %rem3A_184 = arith.remsi %rem3A_182, %rem3A_183 : i32
    %rem3A_185 = arith.constant 77 : i32
    %rem3A_186 = arith.constant 6 : i32
    %rem3A_187 = arith.remsi %rem3A_185, %rem3A_186 : i32
    %dma_wait3A_188 = arith.constant 77 : i32
    %dma_wait3A_189 = arith.constant 0 : i32
    %dma_wait3A_190 = arith.constant 0 : i32
    %dma_wait3A_191 = tpu.memref_slice %arg9[%rem3A_184, %dma_wait3A_189, %dma_wait3A_190] : memref<6x128x8xf32, #tpu.memory_space<vmem>> -> memref<1x128x8xf32, #tpu.memory_space<vmem>>
    %dma_wait3A_192 = tpu.memref_squeeze %dma_wait3A_191 : memref<1x128x8xf32, #tpu.memory_space<vmem>> -> memref<128x8xf32, #tpu.memory_space<vmem>>
    %dma_wait3A_193 = arith.constant 0 : i32
    %dma_wait3A_194 = tpu.memref_slice %arg8[%dma_wait3A_188, %dma_wait3A_193] : memref<79x128xi32, #tpu.memory_space<vmem>> -> memref<1x128xi32, #tpu.memory_space<vmem>>
    %dma_wait3A_195 = tpu.memref_squeeze %dma_wait3A_194 : memref<1x128xi32, #tpu.memory_space<vmem>> -> memref<128xi32, #tpu.memory_space<vmem>>
    %dma_wait3A_196 = arith.constant 0 : i32
    %dma_wait3A_197 = arith.constant 0 : i32
    %dma_wait3A_198 = tpu.memref_slice %arg11[%dma_wait3A_196, %dma_wait3A_197] : memref<10112x8xf32, #tpu.memory_space<vmem_shared>> -> memref<10112x8xf32, #tpu.memory_space<vmem_shared>>
    %dma_wait3A_199 = tpu.memref_slice %arg13[%rem3A_187] : memref<6x!tpu.dma_semaphore, #tpu.memory_space<semaphore_mem>> -> memref<1x!tpu.dma_semaphore, #tpu.memory_space<semaphore_mem>>
    %dma_wait3A_200 = tpu.memref_squeeze %dma_wait3A_199 : memref<1x!tpu.dma_semaphore, #tpu.memory_space<semaphore_mem>> -> memref<!tpu.dma_semaphore, #tpu.memory_space<semaphore_mem>>
    tpu.wait_indirect_dma semaphore(%dma_wait3A_200 : memref<!tpu.dma_semaphore, #tpu.memory_space<semaphore_mem>>) src(%dma_wait3A_192 : memref<128x8xf32, #tpu.memory_space<vmem>>) dst(%dma_wait3A_198 : memref<10112x8xf32, #tpu.memory_space<vmem_shared>>)
    %rem3A_201 = arith.constant 78 : i32
    %rem3A_202 = arith.constant 6 : i32
    %rem3A_203 = arith.remsi %rem3A_201, %rem3A_202 : i32
    %rem3A_204 = arith.constant 78 : i32
    %rem3A_205 = arith.constant 6 : i32
    %rem3A_206 = arith.remsi %rem3A_204, %rem3A_205 : i32
    %dma_wait3A_207 = arith.constant 78 : i32
    %dma_wait3A_208 = arith.constant 0 : i32
    %dma_wait3A_209 = arith.constant 0 : i32
    %dma_wait3A_210 = tpu.memref_slice %arg9[%rem3A_203, %dma_wait3A_208, %dma_wait3A_209] : memref<6x128x8xf32, #tpu.memory_space<vmem>> -> memref<1x128x8xf32, #tpu.memory_space<vmem>>
    %dma_wait3A_211 = tpu.memref_squeeze %dma_wait3A_210 : memref<1x128x8xf32, #tpu.memory_space<vmem>> -> memref<128x8xf32, #tpu.memory_space<vmem>>
    %dma_wait3A_212 = arith.constant 0 : i32
    %dma_wait3A_213 = tpu.memref_slice %arg8[%dma_wait3A_207, %dma_wait3A_212] : memref<79x128xi32, #tpu.memory_space<vmem>> -> memref<1x128xi32, #tpu.memory_space<vmem>>
    %dma_wait3A_214 = tpu.memref_squeeze %dma_wait3A_213 : memref<1x128xi32, #tpu.memory_space<vmem>> -> memref<128xi32, #tpu.memory_space<vmem>>
    %dma_wait3A_215 = arith.constant 0 : i32
    %dma_wait3A_216 = arith.constant 0 : i32
    %dma_wait3A_217 = tpu.memref_slice %arg11[%dma_wait3A_215, %dma_wait3A_216] : memref<10112x8xf32, #tpu.memory_space<vmem_shared>> -> memref<10112x8xf32, #tpu.memory_space<vmem_shared>>
    %dma_wait3A_218 = tpu.memref_slice %arg13[%rem3A_206] : memref<6x!tpu.dma_semaphore, #tpu.memory_space<semaphore_mem>> -> memref<1x!tpu.dma_semaphore, #tpu.memory_space<semaphore_mem>>
    %dma_wait3A_219 = tpu.memref_squeeze %dma_wait3A_218 : memref<1x!tpu.dma_semaphore, #tpu.memory_space<semaphore_mem>> -> memref<!tpu.dma_semaphore, #tpu.memory_space<semaphore_mem>>
    tpu.wait_indirect_dma semaphore(%dma_wait3A_219 : memref<!tpu.dma_semaphore, #tpu.memory_space<semaphore_mem>>) src(%dma_wait3A_211 : memref<128x8xf32, #tpu.memory_space<vmem>>) dst(%dma_wait3A_217 : memref<10112x8xf32, #tpu.memory_space<vmem_shared>>)
    %barrier3A_220 = arith.constant 0 : index
    tpu.barrier barrier_id(%barrier3A_220)
    %mul3A_221 = arith.constant 632 : i32
    %mul3A_222 = arith.muli %arg1, %mul3A_221 : i32
    %mul3A_223 = arith.constant 632 : i32
    %mul3A_224 = arith.muli %arg1, %mul3A_223 : i32
    "tpu.region"() ({
      %run_scoped3A = tpu.sem_alloc : memref<!tpu.dma_semaphore, #tpu.memory_space<semaphore_mem>>
      %dma_start3A_225 = arith.constant 0 : i32
      %dma_start3A_226 = tpu.memref_slice %arg6[%arg0, %mul3A_224, %dma_start3A_225] : memref<2x10112x8xf32, #tpu.memory_space<hbm>> -> memref<1x632x8xf32, #tpu.memory_space<hbm>>
      %dma_start3A_227 = tpu.memref_squeeze %dma_start3A_226 : memref<1x632x8xf32, #tpu.memory_space<hbm>> -> memref<632x8xf32, #tpu.memory_space<hbm>>
      %dma_start3A_228 = arith.constant 0 : i32
      %dma_start3A_229 = tpu.memref_slice %arg11[%mul3A_222, %dma_start3A_228] : memref<10112x8xf32, #tpu.memory_space<vmem_shared>> -> memref<632x8xf32, #tpu.memory_space<vmem_shared>>
      tpu.enqueue_dma source(%dma_start3A_229 : memref<632x8xf32, #tpu.memory_space<vmem_shared>>) target(%dma_start3A_227 : memref<632x8xf32, #tpu.memory_space<hbm>>) target_semaphore(%run_scoped3A : memref<!tpu.dma_semaphore, #tpu.memory_space<semaphore_mem>>)
      %dma_wait3A_230 = arith.constant 0 : i32
      %dma_wait3A_231 = tpu.memref_slice %arg6[%arg0, %mul3A_224, %dma_wait3A_230] : memref<2x10112x8xf32, #tpu.memory_space<hbm>> -> memref<1x632x8xf32, #tpu.memory_space<hbm>>
      %dma_wait3A_232 = tpu.memref_squeeze %dma_wait3A_231 : memref<1x632x8xf32, #tpu.memory_space<hbm>> -> memref<632x8xf32, #tpu.memory_space<hbm>>
      %dma_wait3A_233 = arith.constant 0 : i32
      %dma_wait3A_234 = tpu.memref_slice %arg11[%mul3A_222, %dma_wait3A_233] : memref<10112x8xf32, #tpu.memory_space<vmem_shared>> -> memref<632x8xf32, #tpu.memory_space<vmem_shared>>
      tpu.wait_dma2 semaphore(%run_scoped3A : memref<!tpu.dma_semaphore, #tpu.memory_space<semaphore_mem>>) src(%dma_wait3A_234 : memref<632x8xf32, #tpu.memory_space<vmem_shared>>) dst(%dma_wait3A_232 : memref<632x8xf32, #tpu.memory_space<hbm>>)
      tpu.yield
    }) : () -> ()
    return
  }
}

#map = affine_map<(d0, d1) -> (0, 0)>
#map1 = affine_map<(d0, d1) -> (0, 0, 0)>
module attributes {stable_mosaic.version = 14 : i64} {
  func.func @_seg_fs_body(%arg0: i32, %arg1: i32, %arg2: memref<10000x64xf32, #tpu.memory_space<hbm>>, %arg3: memref<10000x64xf32, #tpu.memory_space<hbm>>, %arg4: memref<16x158x128xi32, #tpu.memory_space<hbm>>, %arg5: memref<16x158x128xi32, #tpu.memory_space<hbm>>, %arg6: memref<10112x64xf32, #tpu.memory_space<hbm>>, %arg7: memref<2x10112x64xf32, #tpu.memory_space<hbm>>, %arg8: memref<158x128xi32, #tpu.memory_space<vmem>>, %arg9: memref<158x128xi32, #tpu.memory_space<vmem>>, %arg10: memref<6x128x64xf32, #tpu.memory_space<vmem>>, %arg11: memref<10112x64xf32, #tpu.memory_space<vmem_shared>>, %arg12: memref<6x!tpu.dma_semaphore, #tpu.memory_space<semaphore_mem>>, %arg13: memref<6x!tpu.dma_semaphore, #tpu.memory_space<semaphore_mem>>) attributes {dimension_semantics = [#tpu.dimension_semantics<core_parallel>, #tpu.dimension_semantics<subcore_parallel>], iteration_bounds = array<i64: 2, 16>, scalar_prefetch = 0 : i64, scratch_operands = 6 : i64, tpu.core_type = #tpu.core_type<sc_vector_subcore>, window_params = [{transform_indices = #map}, {transform_indices = #map}, {transform_indices = #map1}, {transform_indices = #map1}, {transform_indices = #map}, {transform_indices = #map1}]} {
    %mul3A = arith.constant 632 : i32
    %mul3A_0 = arith.muli %arg1, %mul3A : i32
    %mul3A_1 = arith.constant 632 : i32
    %mul3A_2 = arith.muli %arg1, %mul3A_1 : i32
    "tpu.region"() ({
      %run_scoped3A = tpu.sem_alloc : memref<!tpu.dma_semaphore, #tpu.memory_space<semaphore_mem>>
      %dma_start3A = arith.constant 0 : i32
      %dma_start3A_15 = tpu.memref_slice %arg11[%mul3A_2, %dma_start3A] : memref<10112x64xf32, #tpu.memory_space<vmem_shared>> -> memref<632x64xf32, #tpu.memory_space<vmem_shared>>
      %dma_start3A_16 = arith.constant 0 : i32
      %dma_start3A_17 = tpu.memref_slice %arg6[%mul3A_0, %dma_start3A_16] : memref<10112x64xf32, #tpu.memory_space<hbm>> -> memref<632x64xf32, #tpu.memory_space<hbm>>
      tpu.enqueue_dma source(%dma_start3A_17 : memref<632x64xf32, #tpu.memory_space<hbm>>) target(%dma_start3A_15 : memref<632x64xf32, #tpu.memory_space<vmem_shared>>) target_semaphore(%run_scoped3A : memref<!tpu.dma_semaphore, #tpu.memory_space<semaphore_mem>>)
      %dma_wait3A = arith.constant 0 : i32
      %dma_wait3A_18 = tpu.memref_slice %arg11[%mul3A_2, %dma_wait3A] : memref<10112x64xf32, #tpu.memory_space<vmem_shared>> -> memref<632x64xf32, #tpu.memory_space<vmem_shared>>
      %dma_wait3A_19 = arith.constant 0 : i32
      %dma_wait3A_20 = tpu.memref_slice %arg6[%mul3A_0, %dma_wait3A_19] : memref<10112x64xf32, #tpu.memory_space<hbm>> -> memref<632x64xf32, #tpu.memory_space<hbm>>
      tpu.wait_dma2 semaphore(%run_scoped3A : memref<!tpu.dma_semaphore, #tpu.memory_space<semaphore_mem>>) src(%dma_wait3A_20 : memref<632x64xf32, #tpu.memory_space<hbm>>) dst(%dma_wait3A_18 : memref<632x64xf32, #tpu.memory_space<vmem_shared>>)
      tpu.yield
    }) : () -> ()
    "tpu.region"() ({
      %run_scoped3A = tpu.sem_alloc : memref<!tpu.dma_semaphore, #tpu.memory_space<semaphore_mem>>
      %dma_start3A = arith.constant 0 : i32
      %dma_start3A_15 = arith.constant 0 : i32
      %dma_start3A_16 = tpu.memref_slice %arg4[%arg1, %dma_start3A, %dma_start3A_15] : memref<16x158x128xi32, #tpu.memory_space<hbm>> -> memref<1x158x128xi32, #tpu.memory_space<hbm>>
      %dma_start3A_17 = tpu.memref_squeeze %dma_start3A_16 : memref<1x158x128xi32, #tpu.memory_space<hbm>> -> memref<158x128xi32, #tpu.memory_space<hbm>>
      %dma_start3A_18 = arith.constant 0 : i32
      %dma_start3A_19 = arith.constant 0 : i32
      %dma_start3A_20 = tpu.memref_slice %arg4[%arg1, %dma_start3A_18, %dma_start3A_19] : memref<16x158x128xi32, #tpu.memory_space<hbm>> -> memref<1x158x128xi32, #tpu.memory_space<hbm>>
      %dma_start3A_21 = tpu.memref_squeeze %dma_start3A_20 : memref<1x158x128xi32, #tpu.memory_space<hbm>> -> memref<158x128xi32, #tpu.memory_space<hbm>>
      tpu.enqueue_dma source(%dma_start3A_21 : memref<158x128xi32, #tpu.memory_space<hbm>>) target(%arg8 : memref<158x128xi32, #tpu.memory_space<vmem>>) target_semaphore(%run_scoped3A : memref<!tpu.dma_semaphore, #tpu.memory_space<semaphore_mem>>)
      %dma_wait3A = arith.constant 0 : i32
      %dma_wait3A_22 = arith.constant 0 : i32
      %dma_wait3A_23 = tpu.memref_slice %arg4[%arg1, %dma_wait3A, %dma_wait3A_22] : memref<16x158x128xi32, #tpu.memory_space<hbm>> -> memref<1x158x128xi32, #tpu.memory_space<hbm>>
      %dma_wait3A_24 = tpu.memref_squeeze %dma_wait3A_23 : memref<1x158x128xi32, #tpu.memory_space<hbm>> -> memref<158x128xi32, #tpu.memory_space<hbm>>
      %dma_wait3A_25 = arith.constant 0 : i32
      %dma_wait3A_26 = arith.constant 0 : i32
      %dma_wait3A_27 = tpu.memref_slice %arg4[%arg1, %dma_wait3A_25, %dma_wait3A_26] : memref<16x158x128xi32, #tpu.memory_space<hbm>> -> memref<1x158x128xi32, #tpu.memory_space<hbm>>
      %dma_wait3A_28 = tpu.memref_squeeze %dma_wait3A_27 : memref<1x158x128xi32, #tpu.memory_space<hbm>> -> memref<158x128xi32, #tpu.memory_space<hbm>>
      tpu.wait_dma2 semaphore(%run_scoped3A : memref<!tpu.dma_semaphore, #tpu.memory_space<semaphore_mem>>) src(%dma_wait3A_28 : memref<158x128xi32, #tpu.memory_space<hbm>>) dst(%arg8 : memref<158x128xi32, #tpu.memory_space<vmem>>)
      tpu.yield
    }) : () -> ()
    "tpu.region"() ({
      %run_scoped3A = tpu.sem_alloc : memref<!tpu.dma_semaphore, #tpu.memory_space<semaphore_mem>>
      %dma_start3A = arith.constant 0 : i32
      %dma_start3A_15 = arith.constant 0 : i32
      %dma_start3A_16 = tpu.memref_slice %arg5[%arg1, %dma_start3A, %dma_start3A_15] : memref<16x158x128xi32, #tpu.memory_space<hbm>> -> memref<1x158x128xi32, #tpu.memory_space<hbm>>
      %dma_start3A_17 = tpu.memref_squeeze %dma_start3A_16 : memref<1x158x128xi32, #tpu.memory_space<hbm>> -> memref<158x128xi32, #tpu.memory_space<hbm>>
      %dma_start3A_18 = arith.constant 0 : i32
      %dma_start3A_19 = arith.constant 0 : i32
      %dma_start3A_20 = tpu.memref_slice %arg5[%arg1, %dma_start3A_18, %dma_start3A_19] : memref<16x158x128xi32, #tpu.memory_space<hbm>> -> memref<1x158x128xi32, #tpu.memory_space<hbm>>
      %dma_start3A_21 = tpu.memref_squeeze %dma_start3A_20 : memref<1x158x128xi32, #tpu.memory_space<hbm>> -> memref<158x128xi32, #tpu.memory_space<hbm>>
      tpu.enqueue_dma source(%dma_start3A_21 : memref<158x128xi32, #tpu.memory_space<hbm>>) target(%arg9 : memref<158x128xi32, #tpu.memory_space<vmem>>) target_semaphore(%run_scoped3A : memref<!tpu.dma_semaphore, #tpu.memory_space<semaphore_mem>>)
      %dma_wait3A = arith.constant 0 : i32
      %dma_wait3A_22 = arith.constant 0 : i32
      %dma_wait3A_23 = tpu.memref_slice %arg5[%arg1, %dma_wait3A, %dma_wait3A_22] : memref<16x158x128xi32, #tpu.memory_space<hbm>> -> memref<1x158x128xi32, #tpu.memory_space<hbm>>
      %dma_wait3A_24 = tpu.memref_squeeze %dma_wait3A_23 : memref<1x158x128xi32, #tpu.memory_space<hbm>> -> memref<158x128xi32, #tpu.memory_space<hbm>>
      %dma_wait3A_25 = arith.constant 0 : i32
      %dma_wait3A_26 = arith.constant 0 : i32
      %dma_wait3A_27 = tpu.memref_slice %arg5[%arg1, %dma_wait3A_25, %dma_wait3A_26] : memref<16x158x128xi32, #tpu.memory_space<hbm>> -> memref<1x158x128xi32, #tpu.memory_space<hbm>>
      %dma_wait3A_28 = tpu.memref_squeeze %dma_wait3A_27 : memref<1x158x128xi32, #tpu.memory_space<hbm>> -> memref<158x128xi32, #tpu.memory_space<hbm>>
      tpu.wait_dma2 semaphore(%run_scoped3A : memref<!tpu.dma_semaphore, #tpu.memory_space<semaphore_mem>>) src(%dma_wait3A_28 : memref<158x128xi32, #tpu.memory_space<hbm>>) dst(%arg9 : memref<158x128xi32, #tpu.memory_space<vmem>>)
      tpu.yield
    }) : () -> ()
    %barrier3A = arith.constant 0 : index
    tpu.barrier barrier_id(%barrier3A)
    %eq3A = arith.constant 0 : i32
    %eq3A_3 = arith.cmpi eq, %arg0, %eq3A : i32
    %convert_element_type3A = arith.extui %eq3A_3 : i1 to i32
    %cond3A = arith.constant 0 : i32
    %cond3A_4 = arith.cmpi ne, %convert_element_type3A, %cond3A : i32
    scf.if %cond3A_4 {
      %rem3A = arith.constant 0 : i32
      %rem3A_15 = arith.constant 6 : i32
      %rem3A_16 = arith.remsi %rem3A, %rem3A_15 : i32
      %rem3A_17 = arith.constant 0 : i32
      %rem3A_18 = arith.constant 6 : i32
      %rem3A_19 = arith.remsi %rem3A_17, %rem3A_18 : i32
      %dma_start3A = arith.constant 0 : i32
      %dma_start3A_20 = arith.constant 0 : i32
      %dma_start3A_21 = arith.constant 0 : i32
      %dma_start3A_22 = tpu.memref_slice %arg10[%rem3A_16, %dma_start3A_20, %dma_start3A_21] : memref<6x128x64xf32, #tpu.memory_space<vmem>> -> memref<1x128x64xf32, #tpu.memory_space<vmem>>
      %dma_start3A_23 = tpu.memref_squeeze %dma_start3A_22 : memref<1x128x64xf32, #tpu.memory_space<vmem>> -> memref<128x64xf32, #tpu.memory_space<vmem>>
      %dma_start3A_24 = arith.constant 0 : i32
      %dma_start3A_25 = tpu.memref_slice %arg8[%dma_start3A, %dma_start3A_24] : memref<158x128xi32, #tpu.memory_space<vmem>> -> memref<1x128xi32, #tpu.memory_space<vmem>>
      %dma_start3A_26 = tpu.memref_squeeze %dma_start3A_25 : memref<1x128xi32, #tpu.memory_space<vmem>> -> memref<128xi32, #tpu.memory_space<vmem>>
      %dma_start3A_27 = arith.constant 0 : i32
      %dma_start3A_28 = arith.constant 0 : i32
      %dma_start3A_29 = tpu.memref_slice %arg2[%dma_start3A_27, %dma_start3A_28] : memref<10000x64xf32, #tpu.memory_space<hbm>> -> memref<10000x64xf32, #tpu.memory_space<hbm>>
      %dma_start3A_30 = tpu.memref_slice %arg12[%rem3A_19] : memref<6x!tpu.dma_semaphore, #tpu.memory_space<semaphore_mem>> -> memref<1x!tpu.dma_semaphore, #tpu.memory_space<semaphore_mem>>
      %dma_start3A_31 = tpu.memref_squeeze %dma_start3A_30 : memref<1x!tpu.dma_semaphore, #tpu.memory_space<semaphore_mem>> -> memref<!tpu.dma_semaphore, #tpu.memory_space<semaphore_mem>>
      tpu.enqueue_indirect_dma source(%dma_start3A_29 : memref<10000x64xf32, #tpu.memory_space<hbm>>) target(%dma_start3A_23 : memref<128x64xf32, #tpu.memory_space<vmem>>) offsets(%dma_start3A_26 : memref<128xi32, #tpu.memory_space<vmem>>) semaphore(%dma_start3A_31 : memref<!tpu.dma_semaphore, #tpu.memory_space<semaphore_mem>>)
      %rem3A_32 = arith.constant 1 : i32
      %rem3A_33 = arith.constant 6 : i32
      %rem3A_34 = arith.remsi %rem3A_32, %rem3A_33 : i32
      %rem3A_35 = arith.constant 1 : i32
      %rem3A_36 = arith.constant 6 : i32
      %rem3A_37 = arith.remsi %rem3A_35, %rem3A_36 : i32
      %dma_start3A_38 = arith.constant 1 : i32
      %dma_start3A_39 = arith.constant 0 : i32
      %dma_start3A_40 = arith.constant 0 : i32
      %dma_start3A_41 = tpu.memref_slice %arg10[%rem3A_34, %dma_start3A_39, %dma_start3A_40] : memref<6x128x64xf32, #tpu.memory_space<vmem>> -> memref<1x128x64xf32, #tpu.memory_space<vmem>>
      %dma_start3A_42 = tpu.memref_squeeze %dma_start3A_41 : memref<1x128x64xf32, #tpu.memory_space<vmem>> -> memref<128x64xf32, #tpu.memory_space<vmem>>
      %dma_start3A_43 = arith.constant 0 : i32
      %dma_start3A_44 = tpu.memref_slice %arg8[%dma_start3A_38, %dma_start3A_43] : memref<158x128xi32, #tpu.memory_space<vmem>> -> memref<1x128xi32, #tpu.memory_space<vmem>>
      %dma_start3A_45 = tpu.memref_squeeze %dma_start3A_44 : memref<1x128xi32, #tpu.memory_space<vmem>> -> memref<128xi32, #tpu.memory_space<vmem>>
      %dma_start3A_46 = arith.constant 0 : i32
      %dma_start3A_47 = arith.constant 0 : i32
      %dma_start3A_48 = tpu.memref_slice %arg2[%dma_start3A_46, %dma_start3A_47] : memref<10000x64xf32, #tpu.memory_space<hbm>> -> memref<10000x64xf32, #tpu.memory_space<hbm>>
      %dma_start3A_49 = tpu.memref_slice %arg12[%rem3A_37] : memref<6x!tpu.dma_semaphore, #tpu.memory_space<semaphore_mem>> -> memref<1x!tpu.dma_semaphore, #tpu.memory_space<semaphore_mem>>
      %dma_start3A_50 = tpu.memref_squeeze %dma_start3A_49 : memref<1x!tpu.dma_semaphore, #tpu.memory_space<semaphore_mem>> -> memref<!tpu.dma_semaphore, #tpu.memory_space<semaphore_mem>>
      tpu.enqueue_indirect_dma source(%dma_start3A_48 : memref<10000x64xf32, #tpu.memory_space<hbm>>) target(%dma_start3A_42 : memref<128x64xf32, #tpu.memory_space<vmem>>) offsets(%dma_start3A_45 : memref<128xi32, #tpu.memory_space<vmem>>) semaphore(%dma_start3A_50 : memref<!tpu.dma_semaphore, #tpu.memory_space<semaphore_mem>>)
      %rem3A_51 = arith.constant 2 : i32
      %rem3A_52 = arith.constant 6 : i32
      %rem3A_53 = arith.remsi %rem3A_51, %rem3A_52 : i32
      %rem3A_54 = arith.constant 2 : i32
      %rem3A_55 = arith.constant 6 : i32
      %rem3A_56 = arith.remsi %rem3A_54, %rem3A_55 : i32
      %dma_start3A_57 = arith.constant 2 : i32
      %dma_start3A_58 = arith.constant 0 : i32
      %dma_start3A_59 = arith.constant 0 : i32
      %dma_start3A_60 = tpu.memref_slice %arg10[%rem3A_53, %dma_start3A_58, %dma_start3A_59] : memref<6x128x64xf32, #tpu.memory_space<vmem>> -> memref<1x128x64xf32, #tpu.memory_space<vmem>>
      %dma_start3A_61 = tpu.memref_squeeze %dma_start3A_60 : memref<1x128x64xf32, #tpu.memory_space<vmem>> -> memref<128x64xf32, #tpu.memory_space<vmem>>
      %dma_start3A_62 = arith.constant 0 : i32
      %dma_start3A_63 = tpu.memref_slice %arg8[%dma_start3A_57, %dma_start3A_62] : memref<158x128xi32, #tpu.memory_space<vmem>> -> memref<1x128xi32, #tpu.memory_space<vmem>>
      %dma_start3A_64 = tpu.memref_squeeze %dma_start3A_63 : memref<1x128xi32, #tpu.memory_space<vmem>> -> memref<128xi32, #tpu.memory_space<vmem>>
      %dma_start3A_65 = arith.constant 0 : i32
      %dma_start3A_66 = arith.constant 0 : i32
      %dma_start3A_67 = tpu.memref_slice %arg2[%dma_start3A_65, %dma_start3A_66] : memref<10000x64xf32, #tpu.memory_space<hbm>> -> memref<10000x64xf32, #tpu.memory_space<hbm>>
      %dma_start3A_68 = tpu.memref_slice %arg12[%rem3A_56] : memref<6x!tpu.dma_semaphore, #tpu.memory_space<semaphore_mem>> -> memref<1x!tpu.dma_semaphore, #tpu.memory_space<semaphore_mem>>
      %dma_start3A_69 = tpu.memref_squeeze %dma_start3A_68 : memref<1x!tpu.dma_semaphore, #tpu.memory_space<semaphore_mem>> -> memref<!tpu.dma_semaphore, #tpu.memory_space<semaphore_mem>>
      tpu.enqueue_indirect_dma source(%dma_start3A_67 : memref<10000x64xf32, #tpu.memory_space<hbm>>) target(%dma_start3A_61 : memref<128x64xf32, #tpu.memory_space<vmem>>) offsets(%dma_start3A_64 : memref<128xi32, #tpu.memory_space<vmem>>) semaphore(%dma_start3A_69 : memref<!tpu.dma_semaphore, #tpu.memory_space<semaphore_mem>>)
      %rem3A_70 = arith.constant 3 : i32
      %rem3A_71 = arith.constant 6 : i32
      %rem3A_72 = arith.remsi %rem3A_70, %rem3A_71 : i32
      %rem3A_73 = arith.constant 3 : i32
      %rem3A_74 = arith.constant 6 : i32
      %rem3A_75 = arith.remsi %rem3A_73, %rem3A_74 : i32
      %dma_start3A_76 = arith.constant 3 : i32
      %dma_start3A_77 = arith.constant 0 : i32
      %dma_start3A_78 = arith.constant 0 : i32
      %dma_start3A_79 = tpu.memref_slice %arg10[%rem3A_72, %dma_start3A_77, %dma_start3A_78] : memref<6x128x64xf32, #tpu.memory_space<vmem>> -> memref<1x128x64xf32, #tpu.memory_space<vmem>>
      %dma_start3A_80 = tpu.memref_squeeze %dma_start3A_79 : memref<1x128x64xf32, #tpu.memory_space<vmem>> -> memref<128x64xf32, #tpu.memory_space<vmem>>
      %dma_start3A_81 = arith.constant 0 : i32
      %dma_start3A_82 = tpu.memref_slice %arg8[%dma_start3A_76, %dma_start3A_81] : memref<158x128xi32, #tpu.memory_space<vmem>> -> memref<1x128xi32, #tpu.memory_space<vmem>>
      %dma_start3A_83 = tpu.memref_squeeze %dma_start3A_82 : memref<1x128xi32, #tpu.memory_space<vmem>> -> memref<128xi32, #tpu.memory_space<vmem>>
      %dma_start3A_84 = arith.constant 0 : i32
      %dma_start3A_85 = arith.constant 0 : i32
      %dma_start3A_86 = tpu.memref_slice %arg2[%dma_start3A_84, %dma_start3A_85] : memref<10000x64xf32, #tpu.memory_space<hbm>> -> memref<10000x64xf32, #tpu.memory_space<hbm>>
      %dma_start3A_87 = tpu.memref_slice %arg12[%rem3A_75] : memref<6x!tpu.dma_semaphore, #tpu.memory_space<semaphore_mem>> -> memref<1x!tpu.dma_semaphore, #tpu.memory_space<semaphore_mem>>
      %dma_start3A_88 = tpu.memref_squeeze %dma_start3A_87 : memref<1x!tpu.dma_semaphore, #tpu.memory_space<semaphore_mem>> -> memref<!tpu.dma_semaphore, #tpu.memory_space<semaphore_mem>>
      tpu.enqueue_indirect_dma source(%dma_start3A_86 : memref<10000x64xf32, #tpu.memory_space<hbm>>) target(%dma_start3A_80 : memref<128x64xf32, #tpu.memory_space<vmem>>) offsets(%dma_start3A_83 : memref<128xi32, #tpu.memory_space<vmem>>) semaphore(%dma_start3A_88 : memref<!tpu.dma_semaphore, #tpu.memory_space<semaphore_mem>>)
      %rem3A_89 = arith.constant 4 : i32
      %rem3A_90 = arith.constant 6 : i32
      %rem3A_91 = arith.remsi %rem3A_89, %rem3A_90 : i32
      %rem3A_92 = arith.constant 4 : i32
      %rem3A_93 = arith.constant 6 : i32
      %rem3A_94 = arith.remsi %rem3A_92, %rem3A_93 : i32
      %dma_start3A_95 = arith.constant 4 : i32
      %dma_start3A_96 = arith.constant 0 : i32
      %dma_start3A_97 = arith.constant 0 : i32
      %dma_start3A_98 = tpu.memref_slice %arg10[%rem3A_91, %dma_start3A_96, %dma_start3A_97] : memref<6x128x64xf32, #tpu.memory_space<vmem>> -> memref<1x128x64xf32, #tpu.memory_space<vmem>>
      %dma_start3A_99 = tpu.memref_squeeze %dma_start3A_98 : memref<1x128x64xf32, #tpu.memory_space<vmem>> -> memref<128x64xf32, #tpu.memory_space<vmem>>
      %dma_start3A_100 = arith.constant 0 : i32
      %dma_start3A_101 = tpu.memref_slice %arg8[%dma_start3A_95, %dma_start3A_100] : memref<158x128xi32, #tpu.memory_space<vmem>> -> memref<1x128xi32, #tpu.memory_space<vmem>>
      %dma_start3A_102 = tpu.memref_squeeze %dma_start3A_101 : memref<1x128xi32, #tpu.memory_space<vmem>> -> memref<128xi32, #tpu.memory_space<vmem>>
      %dma_start3A_103 = arith.constant 0 : i32
      %dma_start3A_104 = arith.constant 0 : i32
      %dma_start3A_105 = tpu.memref_slice %arg2[%dma_start3A_103, %dma_start3A_104] : memref<10000x64xf32, #tpu.memory_space<hbm>> -> memref<10000x64xf32, #tpu.memory_space<hbm>>
      %dma_start3A_106 = tpu.memref_slice %arg12[%rem3A_94] : memref<6x!tpu.dma_semaphore, #tpu.memory_space<semaphore_mem>> -> memref<1x!tpu.dma_semaphore, #tpu.memory_space<semaphore_mem>>
      %dma_start3A_107 = tpu.memref_squeeze %dma_start3A_106 : memref<1x!tpu.dma_semaphore, #tpu.memory_space<semaphore_mem>> -> memref<!tpu.dma_semaphore, #tpu.memory_space<semaphore_mem>>
      tpu.enqueue_indirect_dma source(%dma_start3A_105 : memref<10000x64xf32, #tpu.memory_space<hbm>>) target(%dma_start3A_99 : memref<128x64xf32, #tpu.memory_space<vmem>>) offsets(%dma_start3A_102 : memref<128xi32, #tpu.memory_space<vmem>>) semaphore(%dma_start3A_107 : memref<!tpu.dma_semaphore, #tpu.memory_space<semaphore_mem>>)
      %scan3A = arith.constant 0 : i32
      %scan3A_108 = arith.constant 0 : i32
      %scan3A_109 = arith.constant 158 : i32
      %scan3A_110 = arith.addi %scan3A_108, %scan3A_109 : i32
      %scan3A_111 = arith.constant 1 : i32
      scf.for %scan3A_226 = %scan3A_108 to %scan3A_110 step %scan3A_111  : i32 {
        %rem3A_227 = arith.constant 6 : i32
        %rem3A_228 = arith.remsi %scan3A_226, %rem3A_227 : i32
        %rem3A_229 = arith.constant 6 : i32
        %rem3A_230 = arith.remsi %scan3A_226, %rem3A_229 : i32
        %dma_wait3A_231 = arith.constant 0 : i32
        %dma_wait3A_232 = arith.constant 0 : i32
        %dma_wait3A_233 = tpu.memref_slice %arg10[%rem3A_228, %dma_wait3A_231, %dma_wait3A_232] : memref<6x128x64xf32, #tpu.memory_space<vmem>> -> memref<1x128x64xf32, #tpu.memory_space<vmem>>
        %dma_wait3A_234 = tpu.memref_squeeze %dma_wait3A_233 : memref<1x128x64xf32, #tpu.memory_space<vmem>> -> memref<128x64xf32, #tpu.memory_space<vmem>>
        %dma_wait3A_235 = arith.constant 0 : i32
        %dma_wait3A_236 = tpu.memref_slice %arg8[%scan3A_226, %dma_wait3A_235] : memref<158x128xi32, #tpu.memory_space<vmem>> -> memref<1x128xi32, #tpu.memory_space<vmem>>
        %dma_wait3A_237 = tpu.memref_squeeze %dma_wait3A_236 : memref<1x128xi32, #tpu.memory_space<vmem>> -> memref<128xi32, #tpu.memory_space<vmem>>
        %dma_wait3A_238 = arith.constant 0 : i32
        %dma_wait3A_239 = arith.constant 0 : i32
        %dma_wait3A_240 = tpu.memref_slice %arg2[%dma_wait3A_238, %dma_wait3A_239] : memref<10000x64xf32, #tpu.memory_space<hbm>> -> memref<10000x64xf32, #tpu.memory_space<hbm>>
        %dma_wait3A_241 = tpu.memref_slice %arg12[%rem3A_230] : memref<6x!tpu.dma_semaphore, #tpu.memory_space<semaphore_mem>> -> memref<1x!tpu.dma_semaphore, #tpu.memory_space<semaphore_mem>>
        %dma_wait3A_242 = tpu.memref_squeeze %dma_wait3A_241 : memref<1x!tpu.dma_semaphore, #tpu.memory_space<semaphore_mem>> -> memref<!tpu.dma_semaphore, #tpu.memory_space<semaphore_mem>>
        tpu.wait_indirect_dma semaphore(%dma_wait3A_242 : memref<!tpu.dma_semaphore, #tpu.memory_space<semaphore_mem>>) src(%dma_wait3A_240 : memref<10000x64xf32, #tpu.memory_space<hbm>>) dst(%dma_wait3A_234 : memref<128x64xf32, #tpu.memory_space<vmem>>)
        %rem3A_243 = arith.constant 6 : i32
        %rem3A_244 = arith.remsi %scan3A_226, %rem3A_243 : i32
        %rem3A_245 = arith.constant 6 : i32
        %rem3A_246 = arith.remsi %scan3A_226, %rem3A_245 : i32
        %dma_start3A_247 = arith.constant 0 : i32
        %dma_start3A_248 = arith.constant 0 : i32
        %dma_start3A_249 = tpu.memref_slice %arg10[%rem3A_244, %dma_start3A_247, %dma_start3A_248] : memref<6x128x64xf32, #tpu.memory_space<vmem>> -> memref<1x128x64xf32, #tpu.memory_space<vmem>>
        %dma_start3A_250 = tpu.memref_squeeze %dma_start3A_249 : memref<1x128x64xf32, #tpu.memory_space<vmem>> -> memref<128x64xf32, #tpu.memory_space<vmem>>
        %dma_start3A_251 = arith.constant 0 : i32
        %dma_start3A_252 = tpu.memref_slice %arg9[%scan3A_226, %dma_start3A_251] : memref<158x128xi32, #tpu.memory_space<vmem>> -> memref<1x128xi32, #tpu.memory_space<vmem>>
        %dma_start3A_253 = tpu.memref_squeeze %dma_start3A_252 : memref<1x128xi32, #tpu.memory_space<vmem>> -> memref<128xi32, #tpu.memory_space<vmem>>
        %dma_start3A_254 = arith.constant 0 : i32
        %dma_start3A_255 = arith.constant 0 : i32
        %dma_start3A_256 = tpu.memref_slice %arg11[%dma_start3A_254, %dma_start3A_255] : memref<10112x64xf32, #tpu.memory_space<vmem_shared>> -> memref<10112x64xf32, #tpu.memory_space<vmem_shared>>
        %dma_start3A_257 = tpu.memref_slice %arg13[%rem3A_246] : memref<6x!tpu.dma_semaphore, #tpu.memory_space<semaphore_mem>> -> memref<1x!tpu.dma_semaphore, #tpu.memory_space<semaphore_mem>>
        %dma_start3A_258 = tpu.memref_squeeze %dma_start3A_257 : memref<1x!tpu.dma_semaphore, #tpu.memory_space<semaphore_mem>> -> memref<!tpu.dma_semaphore, #tpu.memory_space<semaphore_mem>>
        tpu.enqueue_indirect_dma source(%dma_start3A_250 : memref<128x64xf32, #tpu.memory_space<vmem>>) target(%dma_start3A_256 : memref<10112x64xf32, #tpu.memory_space<vmem_shared>>) offsets(%dma_start3A_253 : memref<128xi32, #tpu.memory_space<vmem>>) semaphore(%dma_start3A_258 : memref<!tpu.dma_semaphore, #tpu.memory_space<semaphore_mem>>) {add = true}
        %add3A = arith.constant 6 : i32
        %add3A_259 = arith.addi %scan3A_226, %add3A : i32
        %sub3A = arith.constant 1 : i32
        %sub3A_260 = arith.subi %add3A_259, %sub3A : i32
        %lt3A = arith.constant 158 : i32
        %lt3A_261 = arith.cmpi slt, %sub3A_260, %lt3A : i32
        %convert_element_type3A_262 = arith.extui %lt3A_261 : i1 to i32
        %cond3A_263 = arith.constant 0 : i32
        %cond3A_264 = arith.cmpi ne, %convert_element_type3A_262, %cond3A_263 : i32
        scf.if %cond3A_264 {
          %ge3A = arith.constant 1 : i32
          %ge3A_265 = arith.cmpi sge, %scan3A_226, %ge3A : i32
          %convert_element_type3A_266 = arith.extui %ge3A_265 : i1 to i32
          %cond3A_267 = arith.constant 0 : i32
          %cond3A_268 = arith.cmpi ne, %convert_element_type3A_266, %cond3A_267 : i32
          scf.if %cond3A_268 {
            %sub3A_289 = arith.constant 1 : i32
            %sub3A_290 = arith.subi %scan3A_226, %sub3A_289 : i32
            %rem3A_291 = arith.constant 6 : i32
            %rem3A_292 = arith.remsi %sub3A_290, %rem3A_291 : i32
            %rem3A_293 = arith.constant 6 : i32
            %rem3A_294 = arith.remsi %sub3A_290, %rem3A_293 : i32
            %dma_wait3A_295 = arith.constant 0 : i32
            %dma_wait3A_296 = arith.constant 0 : i32
            %dma_wait3A_297 = tpu.memref_slice %arg10[%rem3A_292, %dma_wait3A_295, %dma_wait3A_296] : memref<6x128x64xf32, #tpu.memory_space<vmem>> -> memref<1x128x64xf32, #tpu.memory_space<vmem>>
            %dma_wait3A_298 = tpu.memref_squeeze %dma_wait3A_297 : memref<1x128x64xf32, #tpu.memory_space<vmem>> -> memref<128x64xf32, #tpu.memory_space<vmem>>
            %dma_wait3A_299 = arith.constant 0 : i32
            %dma_wait3A_300 = tpu.memref_slice %arg9[%sub3A_290, %dma_wait3A_299] : memref<158x128xi32, #tpu.memory_space<vmem>> -> memref<1x128xi32, #tpu.memory_space<vmem>>
            %dma_wait3A_301 = tpu.memref_squeeze %dma_wait3A_300 : memref<1x128xi32, #tpu.memory_space<vmem>> -> memref<128xi32, #tpu.memory_space<vmem>>
            %dma_wait3A_302 = arith.constant 0 : i32
            %dma_wait3A_303 = arith.constant 0 : i32
            %dma_wait3A_304 = tpu.memref_slice %arg11[%dma_wait3A_302, %dma_wait3A_303] : memref<10112x64xf32, #tpu.memory_space<vmem_shared>> -> memref<10112x64xf32, #tpu.memory_space<vmem_shared>>
            %dma_wait3A_305 = tpu.memref_slice %arg13[%rem3A_294] : memref<6x!tpu.dma_semaphore, #tpu.memory_space<semaphore_mem>> -> memref<1x!tpu.dma_semaphore, #tpu.memory_space<semaphore_mem>>
            %dma_wait3A_306 = tpu.memref_squeeze %dma_wait3A_305 : memref<1x!tpu.dma_semaphore, #tpu.memory_space<semaphore_mem>> -> memref<!tpu.dma_semaphore, #tpu.memory_space<semaphore_mem>>
            tpu.wait_indirect_dma semaphore(%dma_wait3A_306 : memref<!tpu.dma_semaphore, #tpu.memory_space<semaphore_mem>>) src(%dma_wait3A_298 : memref<128x64xf32, #tpu.memory_space<vmem>>) dst(%dma_wait3A_304 : memref<10112x64xf32, #tpu.memory_space<vmem_shared>>)
          } else {
          }
          %add3A_269 = arith.constant 6 : i32
          %add3A_270 = arith.addi %scan3A_226, %add3A_269 : i32
          %sub3A_271 = arith.constant 1 : i32
          %sub3A_272 = arith.subi %add3A_270, %sub3A_271 : i32
          %rem3A_273 = arith.constant 6 : i32
          %rem3A_274 = arith.remsi %sub3A_272, %rem3A_273 : i32
          %rem3A_275 = arith.constant 6 : i32
          %rem3A_276 = arith.remsi %sub3A_272, %rem3A_275 : i32
          %dma_start3A_277 = arith.constant 0 : i32
          %dma_start3A_278 = arith.constant 0 : i32
          %dma_start3A_279 = tpu.memref_slice %arg10[%rem3A_274, %dma_start3A_277, %dma_start3A_278] : memref<6x128x64xf32, #tpu.memory_space<vmem>> -> memref<1x128x64xf32, #tpu.memory_space<vmem>>
          %dma_start3A_280 = tpu.memref_squeeze %dma_start3A_279 : memref<1x128x64xf32, #tpu.memory_space<vmem>> -> memref<128x64xf32, #tpu.memory_space<vmem>>
          %dma_start3A_281 = arith.constant 0 : i32
          %dma_start3A_282 = tpu.memref_slice %arg8[%sub3A_272, %dma_start3A_281] : memref<158x128xi32, #tpu.memory_space<vmem>> -> memref<1x128xi32, #tpu.memory_space<vmem>>
          %dma_start3A_283 = tpu.memref_squeeze %dma_start3A_282 : memref<1x128xi32, #tpu.memory_space<vmem>> -> memref<128xi32, #tpu.memory_space<vmem>>
          %dma_start3A_284 = arith.constant 0 : i32
          %dma_start3A_285 = arith.constant 0 : i32
          %dma_start3A_286 = tpu.memref_slice %arg2[%dma_start3A_284, %dma_start3A_285] : memref<10000x64xf32, #tpu.memory_space<hbm>> -> memref<10000x64xf32, #tpu.memory_space<hbm>>
          %dma_start3A_287 = tpu.memref_slice %arg12[%rem3A_276] : memref<6x!tpu.dma_semaphore, #tpu.memory_space<semaphore_mem>> -> memref<1x!tpu.dma_semaphore, #tpu.memory_space<semaphore_mem>>
          %dma_start3A_288 = tpu.memref_squeeze %dma_start3A_287 : memref<1x!tpu.dma_semaphore, #tpu.memory_space<semaphore_mem>> -> memref<!tpu.dma_semaphore, #tpu.memory_space<semaphore_mem>>
          tpu.enqueue_indirect_dma source(%dma_start3A_286 : memref<10000x64xf32, #tpu.memory_space<hbm>>) target(%dma_start3A_280 : memref<128x64xf32, #tpu.memory_space<vmem>>) offsets(%dma_start3A_283 : memref<128xi32, #tpu.memory_space<vmem>>) semaphore(%dma_start3A_288 : memref<!tpu.dma_semaphore, #tpu.memory_space<semaphore_mem>>)
        } else {
        }
      }
      %scan3A_112 = arith.constant 158 : i32
      %rem3A_113 = arith.constant 152 : i32
      %rem3A_114 = arith.constant 6 : i32
      %rem3A_115 = arith.remsi %rem3A_113, %rem3A_114 : i32
      %rem3A_116 = arith.constant 152 : i32
      %rem3A_117 = arith.constant 6 : i32
      %rem3A_118 = arith.remsi %rem3A_116, %rem3A_117 : i32
      %dma_wait3A = arith.constant 152 : i32
      %dma_wait3A_119 = arith.constant 0 : i32
      %dma_wait3A_120 = arith.constant 0 : i32
      %dma_wait3A_121 = tpu.memref_slice %arg10[%rem3A_115, %dma_wait3A_119, %dma_wait3A_120] : memref<6x128x64xf32, #tpu.memory_space<vmem>> -> memref<1x128x64xf32, #tpu.memory_space<vmem>>
      %dma_wait3A_122 = tpu.memref_squeeze %dma_wait3A_121 : memref<1x128x64xf32, #tpu.memory_space<vmem>> -> memref<128x64xf32, #tpu.memory_space<vmem>>
      %dma_wait3A_123 = arith.constant 0 : i32
      %dma_wait3A_124 = tpu.memref_slice %arg9[%dma_wait3A, %dma_wait3A_123] : memref<158x128xi32, #tpu.memory_space<vmem>> -> memref<1x128xi32, #tpu.memory_space<vmem>>
      %dma_wait3A_125 = tpu.memref_squeeze %dma_wait3A_124 : memref<1x128xi32, #tpu.memory_space<vmem>> -> memref<128xi32, #tpu.memory_space<vmem>>
      %dma_wait3A_126 = arith.constant 0 : i32
      %dma_wait3A_127 = arith.constant 0 : i32
      %dma_wait3A_128 = tpu.memref_slice %arg11[%dma_wait3A_126, %dma_wait3A_127] : memref<10112x64xf32, #tpu.memory_space<vmem_shared>> -> memref<10112x64xf32, #tpu.memory_space<vmem_shared>>
      %dma_wait3A_129 = tpu.memref_slice %arg13[%rem3A_118] : memref<6x!tpu.dma_semaphore, #tpu.memory_space<semaphore_mem>> -> memref<1x!tpu.dma_semaphore, #tpu.memory_space<semaphore_mem>>
      %dma_wait3A_130 = tpu.memref_squeeze %dma_wait3A_129 : memref<1x!tpu.dma_semaphore, #tpu.memory_space<semaphore_mem>> -> memref<!tpu.dma_semaphore, #tpu.memory_space<semaphore_mem>>
      tpu.wait_indirect_dma semaphore(%dma_wait3A_130 : memref<!tpu.dma_semaphore, #tpu.memory_space<semaphore_mem>>) src(%dma_wait3A_122 : memref<128x64xf32, #tpu.memory_space<vmem>>) dst(%dma_wait3A_128 : memref<10112x64xf32, #tpu.memory_space<vmem_shared>>)
      %rem3A_131 = arith.constant 153 : i32
      %rem3A_132 = arith.constant 6 : i32
      %rem3A_133 = arith.remsi %rem3A_131, %rem3A_132 : i32
      %rem3A_134 = arith.constant 153 : i32
      %rem3A_135 = arith.constant 6 : i32
      %rem3A_136 = arith.remsi %rem3A_134, %rem3A_135 : i32
      %dma_wait3A_137 = arith.constant 153 : i32
      %dma_wait3A_138 = arith.constant 0 : i32
      %dma_wait3A_139 = arith.constant 0 : i32
      %dma_wait3A_140 = tpu.memref_slice %arg10[%rem3A_133, %dma_wait3A_138, %dma_wait3A_139] : memref<6x128x64xf32, #tpu.memory_space<vmem>> -> memref<1x128x64xf32, #tpu.memory_space<vmem>>
      %dma_wait3A_141 = tpu.memref_squeeze %dma_wait3A_140 : memref<1x128x64xf32, #tpu.memory_space<vmem>> -> memref<128x64xf32, #tpu.memory_space<vmem>>
      %dma_wait3A_142 = arith.constant 0 : i32
      %dma_wait3A_143 = tpu.memref_slice %arg9[%dma_wait3A_137, %dma_wait3A_142] : memref<158x128xi32, #tpu.memory_space<vmem>> -> memref<1x128xi32, #tpu.memory_space<vmem>>
      %dma_wait3A_144 = tpu.memref_squeeze %dma_wait3A_143 : memref<1x128xi32, #tpu.memory_space<vmem>> -> memref<128xi32, #tpu.memory_space<vmem>>
      %dma_wait3A_145 = arith.constant 0 : i32
      %dma_wait3A_146 = arith.constant 0 : i32
      %dma_wait3A_147 = tpu.memref_slice %arg11[%dma_wait3A_145, %dma_wait3A_146] : memref<10112x64xf32, #tpu.memory_space<vmem_shared>> -> memref<10112x64xf32, #tpu.memory_space<vmem_shared>>
      %dma_wait3A_148 = tpu.memref_slice %arg13[%rem3A_136] : memref<6x!tpu.dma_semaphore, #tpu.memory_space<semaphore_mem>> -> memref<1x!tpu.dma_semaphore, #tpu.memory_space<semaphore_mem>>
      %dma_wait3A_149 = tpu.memref_squeeze %dma_wait3A_148 : memref<1x!tpu.dma_semaphore, #tpu.memory_space<semaphore_mem>> -> memref<!tpu.dma_semaphore, #tpu.memory_space<semaphore_mem>>
      tpu.wait_indirect_dma semaphore(%dma_wait3A_149 : memref<!tpu.dma_semaphore, #tpu.memory_space<semaphore_mem>>) src(%dma_wait3A_141 : memref<128x64xf32, #tpu.memory_space<vmem>>) dst(%dma_wait3A_147 : memref<10112x64xf32, #tpu.memory_space<vmem_shared>>)
      %rem3A_150 = arith.constant 154 : i32
      %rem3A_151 = arith.constant 6 : i32
      %rem3A_152 = arith.remsi %rem3A_150, %rem3A_151 : i32
      %rem3A_153 = arith.constant 154 : i32
      %rem3A_154 = arith.constant 6 : i32
      %rem3A_155 = arith.remsi %rem3A_153, %rem3A_154 : i32
      %dma_wait3A_156 = arith.constant 154 : i32
      %dma_wait3A_157 = arith.constant 0 : i32
      %dma_wait3A_158 = arith.constant 0 : i32
      %dma_wait3A_159 = tpu.memref_slice %arg10[%rem3A_152, %dma_wait3A_157, %dma_wait3A_158] : memref<6x128x64xf32, #tpu.memory_space<vmem>> -> memref<1x128x64xf32, #tpu.memory_space<vmem>>
      %dma_wait3A_160 = tpu.memref_squeeze %dma_wait3A_159 : memref<1x128x64xf32, #tpu.memory_space<vmem>> -> memref<128x64xf32, #tpu.memory_space<vmem>>
      %dma_wait3A_161 = arith.constant 0 : i32
      %dma_wait3A_162 = tpu.memref_slice %arg9[%dma_wait3A_156, %dma_wait3A_161] : memref<158x128xi32, #tpu.memory_space<vmem>> -> memref<1x128xi32, #tpu.memory_space<vmem>>
      %dma_wait3A_163 = tpu.memref_squeeze %dma_wait3A_162 : memref<1x128xi32, #tpu.memory_space<vmem>> -> memref<128xi32, #tpu.memory_space<vmem>>
      %dma_wait3A_164 = arith.constant 0 : i32
      %dma_wait3A_165 = arith.constant 0 : i32
      %dma_wait3A_166 = tpu.memref_slice %arg11[%dma_wait3A_164, %dma_wait3A_165] : memref<10112x64xf32, #tpu.memory_space<vmem_shared>> -> memref<10112x64xf32, #tpu.memory_space<vmem_shared>>
      %dma_wait3A_167 = tpu.memref_slice %arg13[%rem3A_155] : memref<6x!tpu.dma_semaphore, #tpu.memory_space<semaphore_mem>> -> memref<1x!tpu.dma_semaphore, #tpu.memory_space<semaphore_mem>>
      %dma_wait3A_168 = tpu.memref_squeeze %dma_wait3A_167 : memref<1x!tpu.dma_semaphore, #tpu.memory_space<semaphore_mem>> -> memref<!tpu.dma_semaphore, #tpu.memory_space<semaphore_mem>>
      tpu.wait_indirect_dma semaphore(%dma_wait3A_168 : memref<!tpu.dma_semaphore, #tpu.memory_space<semaphore_mem>>) src(%dma_wait3A_160 : memref<128x64xf32, #tpu.memory_space<vmem>>) dst(%dma_wait3A_166 : memref<10112x64xf32, #tpu.memory_space<vmem_shared>>)
      %rem3A_169 = arith.constant 155 : i32
      %rem3A_170 = arith.constant 6 : i32
      %rem3A_171 = arith.remsi %rem3A_169, %rem3A_170 : i32
      %rem3A_172 = arith.constant 155 : i32
      %rem3A_173 = arith.constant 6 : i32
      %rem3A_174 = arith.remsi %rem3A_172, %rem3A_173 : i32
      %dma_wait3A_175 = arith.constant 155 : i32
      %dma_wait3A_176 = arith.constant 0 : i32
      %dma_wait3A_177 = arith.constant 0 : i32
      %dma_wait3A_178 = tpu.memref_slice %arg10[%rem3A_171, %dma_wait3A_176, %dma_wait3A_177] : memref<6x128x64xf32, #tpu.memory_space<vmem>> -> memref<1x128x64xf32, #tpu.memory_space<vmem>>
      %dma_wait3A_179 = tpu.memref_squeeze %dma_wait3A_178 : memref<1x128x64xf32, #tpu.memory_space<vmem>> -> memref<128x64xf32, #tpu.memory_space<vmem>>
      %dma_wait3A_180 = arith.constant 0 : i32
      %dma_wait3A_181 = tpu.memref_slice %arg9[%dma_wait3A_175, %dma_wait3A_180] : memref<158x128xi32, #tpu.memory_space<vmem>> -> memref<1x128xi32, #tpu.memory_space<vmem>>
      %dma_wait3A_182 = tpu.memref_squeeze %dma_wait3A_181 : memref<1x128xi32, #tpu.memory_space<vmem>> -> memref<128xi32, #tpu.memory_space<vmem>>
      %dma_wait3A_183 = arith.constant 0 : i32
      %dma_wait3A_184 = arith.constant 0 : i32
      %dma_wait3A_185 = tpu.memref_slice %arg11[%dma_wait3A_183, %dma_wait3A_184] : memref<10112x64xf32, #tpu.memory_space<vmem_shared>> -> memref<10112x64xf32, #tpu.memory_space<vmem_shared>>
      %dma_wait3A_186 = tpu.memref_slice %arg13[%rem3A_174] : memref<6x!tpu.dma_semaphore, #tpu.memory_space<semaphore_mem>> -> memref<1x!tpu.dma_semaphore, #tpu.memory_space<semaphore_mem>>
      %dma_wait3A_187 = tpu.memref_squeeze %dma_wait3A_186 : memref<1x!tpu.dma_semaphore, #tpu.memory_space<semaphore_mem>> -> memref<!tpu.dma_semaphore, #tpu.memory_space<semaphore_mem>>
      tpu.wait_indirect_dma semaphore(%dma_wait3A_187 : memref<!tpu.dma_semaphore, #tpu.memory_space<semaphore_mem>>) src(%dma_wait3A_179 : memref<128x64xf32, #tpu.memory_space<vmem>>) dst(%dma_wait3A_185 : memref<10112x64xf32, #tpu.memory_space<vmem_shared>>)
      %rem3A_188 = arith.constant 156 : i32
      %rem3A_189 = arith.constant 6 : i32
      %rem3A_190 = arith.remsi %rem3A_188, %rem3A_189 : i32
      %rem3A_191 = arith.constant 156 : i32
      %rem3A_192 = arith.constant 6 : i32
      %rem3A_193 = arith.remsi %rem3A_191, %rem3A_192 : i32
      %dma_wait3A_194 = arith.constant 156 : i32
      %dma_wait3A_195 = arith.constant 0 : i32
      %dma_wait3A_196 = arith.constant 0 : i32
      %dma_wait3A_197 = tpu.memref_slice %arg10[%rem3A_190, %dma_wait3A_195, %dma_wait3A_196] : memref<6x128x64xf32, #tpu.memory_space<vmem>> -> memref<1x128x64xf32, #tpu.memory_space<vmem>>
      %dma_wait3A_198 = tpu.memref_squeeze %dma_wait3A_197 : memref<1x128x64xf32, #tpu.memory_space<vmem>> -> memref<128x64xf32, #tpu.memory_space<vmem>>
      %dma_wait3A_199 = arith.constant 0 : i32
      %dma_wait3A_200 = tpu.memref_slice %arg9[%dma_wait3A_194, %dma_wait3A_199] : memref<158x128xi32, #tpu.memory_space<vmem>> -> memref<1x128xi32, #tpu.memory_space<vmem>>
      %dma_wait3A_201 = tpu.memref_squeeze %dma_wait3A_200 : memref<1x128xi32, #tpu.memory_space<vmem>> -> memref<128xi32, #tpu.memory_space<vmem>>
      %dma_wait3A_202 = arith.constant 0 : i32
      %dma_wait3A_203 = arith.constant 0 : i32
      %dma_wait3A_204 = tpu.memref_slice %arg11[%dma_wait3A_202, %dma_wait3A_203] : memref<10112x64xf32, #tpu.memory_space<vmem_shared>> -> memref<10112x64xf32, #tpu.memory_space<vmem_shared>>
      %dma_wait3A_205 = tpu.memref_slice %arg13[%rem3A_193] : memref<6x!tpu.dma_semaphore, #tpu.memory_space<semaphore_mem>> -> memref<1x!tpu.dma_semaphore, #tpu.memory_space<semaphore_mem>>
      %dma_wait3A_206 = tpu.memref_squeeze %dma_wait3A_205 : memref<1x!tpu.dma_semaphore, #tpu.memory_space<semaphore_mem>> -> memref<!tpu.dma_semaphore, #tpu.memory_space<semaphore_mem>>
      tpu.wait_indirect_dma semaphore(%dma_wait3A_206 : memref<!tpu.dma_semaphore, #tpu.memory_space<semaphore_mem>>) src(%dma_wait3A_198 : memref<128x64xf32, #tpu.memory_space<vmem>>) dst(%dma_wait3A_204 : memref<10112x64xf32, #tpu.memory_space<vmem_shared>>)
      %rem3A_207 = arith.constant 157 : i32
      %rem3A_208 = arith.constant 6 : i32
      %rem3A_209 = arith.remsi %rem3A_207, %rem3A_208 : i32
      %rem3A_210 = arith.constant 157 : i32
      %rem3A_211 = arith.constant 6 : i32
      %rem3A_212 = arith.remsi %rem3A_210, %rem3A_211 : i32
      %dma_wait3A_213 = arith.constant 157 : i32
      %dma_wait3A_214 = arith.constant 0 : i32
      %dma_wait3A_215 = arith.constant 0 : i32
      %dma_wait3A_216 = tpu.memref_slice %arg10[%rem3A_209, %dma_wait3A_214, %dma_wait3A_215] : memref<6x128x64xf32, #tpu.memory_space<vmem>> -> memref<1x128x64xf32, #tpu.memory_space<vmem>>
      %dma_wait3A_217 = tpu.memref_squeeze %dma_wait3A_216 : memref<1x128x64xf32, #tpu.memory_space<vmem>> -> memref<128x64xf32, #tpu.memory_space<vmem>>
      %dma_wait3A_218 = arith.constant 0 : i32
      %dma_wait3A_219 = tpu.memref_slice %arg9[%dma_wait3A_213, %dma_wait3A_218] : memref<158x128xi32, #tpu.memory_space<vmem>> -> memref<1x128xi32, #tpu.memory_space<vmem>>
      %dma_wait3A_220 = tpu.memref_squeeze %dma_wait3A_219 : memref<1x128xi32, #tpu.memory_space<vmem>> -> memref<128xi32, #tpu.memory_space<vmem>>
      %dma_wait3A_221 = arith.constant 0 : i32
      %dma_wait3A_222 = arith.constant 0 : i32
      %dma_wait3A_223 = tpu.memref_slice %arg11[%dma_wait3A_221, %dma_wait3A_222] : memref<10112x64xf32, #tpu.memory_space<vmem_shared>> -> memref<10112x64xf32, #tpu.memory_space<vmem_shared>>
      %dma_wait3A_224 = tpu.memref_slice %arg13[%rem3A_212] : memref<6x!tpu.dma_semaphore, #tpu.memory_space<semaphore_mem>> -> memref<1x!tpu.dma_semaphore, #tpu.memory_space<semaphore_mem>>
      %dma_wait3A_225 = tpu.memref_squeeze %dma_wait3A_224 : memref<1x!tpu.dma_semaphore, #tpu.memory_space<semaphore_mem>> -> memref<!tpu.dma_semaphore, #tpu.memory_space<semaphore_mem>>
      tpu.wait_indirect_dma semaphore(%dma_wait3A_225 : memref<!tpu.dma_semaphore, #tpu.memory_space<semaphore_mem>>) src(%dma_wait3A_217 : memref<128x64xf32, #tpu.memory_space<vmem>>) dst(%dma_wait3A_223 : memref<10112x64xf32, #tpu.memory_space<vmem_shared>>)
    } else {
    }
    %eq3A_5 = arith.constant 1 : i32
    %eq3A_6 = arith.cmpi eq, %arg0, %eq3A_5 : i32
    %convert_element_type3A_7 = arith.extui %eq3A_6 : i1 to i32
    %cond3A_8 = arith.constant 0 : i32
    %cond3A_9 = arith.cmpi ne, %convert_element_type3A_7, %cond3A_8 : i32
    scf.if %cond3A_9 {
      %rem3A = arith.constant 0 : i32
      %rem3A_15 = arith.constant 6 : i32
      %rem3A_16 = arith.remsi %rem3A, %rem3A_15 : i32
      %rem3A_17 = arith.constant 0 : i32
      %rem3A_18 = arith.constant 6 : i32
      %rem3A_19 = arith.remsi %rem3A_17, %rem3A_18 : i32
      %dma_start3A = arith.constant 0 : i32
      %dma_start3A_20 = arith.constant 0 : i32
      %dma_start3A_21 = arith.constant 0 : i32
      %dma_start3A_22 = tpu.memref_slice %arg10[%rem3A_16, %dma_start3A_20, %dma_start3A_21] : memref<6x128x64xf32, #tpu.memory_space<vmem>> -> memref<1x128x64xf32, #tpu.memory_space<vmem>>
      %dma_start3A_23 = tpu.memref_squeeze %dma_start3A_22 : memref<1x128x64xf32, #tpu.memory_space<vmem>> -> memref<128x64xf32, #tpu.memory_space<vmem>>
      %dma_start3A_24 = arith.constant 0 : i32
      %dma_start3A_25 = tpu.memref_slice %arg8[%dma_start3A, %dma_start3A_24] : memref<158x128xi32, #tpu.memory_space<vmem>> -> memref<1x128xi32, #tpu.memory_space<vmem>>
      %dma_start3A_26 = tpu.memref_squeeze %dma_start3A_25 : memref<1x128xi32, #tpu.memory_space<vmem>> -> memref<128xi32, #tpu.memory_space<vmem>>
      %dma_start3A_27 = arith.constant 0 : i32
      %dma_start3A_28 = arith.constant 0 : i32
      %dma_start3A_29 = tpu.memref_slice %arg3[%dma_start3A_27, %dma_start3A_28] : memref<10000x64xf32, #tpu.memory_space<hbm>> -> memref<10000x64xf32, #tpu.memory_space<hbm>>
      %dma_start3A_30 = tpu.memref_slice %arg12[%rem3A_19] : memref<6x!tpu.dma_semaphore, #tpu.memory_space<semaphore_mem>> -> memref<1x!tpu.dma_semaphore, #tpu.memory_space<semaphore_mem>>
      %dma_start3A_31 = tpu.memref_squeeze %dma_start3A_30 : memref<1x!tpu.dma_semaphore, #tpu.memory_space<semaphore_mem>> -> memref<!tpu.dma_semaphore, #tpu.memory_space<semaphore_mem>>
      tpu.enqueue_indirect_dma source(%dma_start3A_29 : memref<10000x64xf32, #tpu.memory_space<hbm>>) target(%dma_start3A_23 : memref<128x64xf32, #tpu.memory_space<vmem>>) offsets(%dma_start3A_26 : memref<128xi32, #tpu.memory_space<vmem>>) semaphore(%dma_start3A_31 : memref<!tpu.dma_semaphore, #tpu.memory_space<semaphore_mem>>)
      %rem3A_32 = arith.constant 1 : i32
      %rem3A_33 = arith.constant 6 : i32
      %rem3A_34 = arith.remsi %rem3A_32, %rem3A_33 : i32
      %rem3A_35 = arith.constant 1 : i32
      %rem3A_36 = arith.constant 6 : i32
      %rem3A_37 = arith.remsi %rem3A_35, %rem3A_36 : i32
      %dma_start3A_38 = arith.constant 1 : i32
      %dma_start3A_39 = arith.constant 0 : i32
      %dma_start3A_40 = arith.constant 0 : i32
      %dma_start3A_41 = tpu.memref_slice %arg10[%rem3A_34, %dma_start3A_39, %dma_start3A_40] : memref<6x128x64xf32, #tpu.memory_space<vmem>> -> memref<1x128x64xf32, #tpu.memory_space<vmem>>
      %dma_start3A_42 = tpu.memref_squeeze %dma_start3A_41 : memref<1x128x64xf32, #tpu.memory_space<vmem>> -> memref<128x64xf32, #tpu.memory_space<vmem>>
      %dma_start3A_43 = arith.constant 0 : i32
      %dma_start3A_44 = tpu.memref_slice %arg8[%dma_start3A_38, %dma_start3A_43] : memref<158x128xi32, #tpu.memory_space<vmem>> -> memref<1x128xi32, #tpu.memory_space<vmem>>
      %dma_start3A_45 = tpu.memref_squeeze %dma_start3A_44 : memref<1x128xi32, #tpu.memory_space<vmem>> -> memref<128xi32, #tpu.memory_space<vmem>>
      %dma_start3A_46 = arith.constant 0 : i32
      %dma_start3A_47 = arith.constant 0 : i32
      %dma_start3A_48 = tpu.memref_slice %arg3[%dma_start3A_46, %dma_start3A_47] : memref<10000x64xf32, #tpu.memory_space<hbm>> -> memref<10000x64xf32, #tpu.memory_space<hbm>>
      %dma_start3A_49 = tpu.memref_slice %arg12[%rem3A_37] : memref<6x!tpu.dma_semaphore, #tpu.memory_space<semaphore_mem>> -> memref<1x!tpu.dma_semaphore, #tpu.memory_space<semaphore_mem>>
      %dma_start3A_50 = tpu.memref_squeeze %dma_start3A_49 : memref<1x!tpu.dma_semaphore, #tpu.memory_space<semaphore_mem>> -> memref<!tpu.dma_semaphore, #tpu.memory_space<semaphore_mem>>
      tpu.enqueue_indirect_dma source(%dma_start3A_48 : memref<10000x64xf32, #tpu.memory_space<hbm>>) target(%dma_start3A_42 : memref<128x64xf32, #tpu.memory_space<vmem>>) offsets(%dma_start3A_45 : memref<128xi32, #tpu.memory_space<vmem>>) semaphore(%dma_start3A_50 : memref<!tpu.dma_semaphore, #tpu.memory_space<semaphore_mem>>)
      %rem3A_51 = arith.constant 2 : i32
      %rem3A_52 = arith.constant 6 : i32
      %rem3A_53 = arith.remsi %rem3A_51, %rem3A_52 : i32
      %rem3A_54 = arith.constant 2 : i32
      %rem3A_55 = arith.constant 6 : i32
      %rem3A_56 = arith.remsi %rem3A_54, %rem3A_55 : i32
      %dma_start3A_57 = arith.constant 2 : i32
      %dma_start3A_58 = arith.constant 0 : i32
      %dma_start3A_59 = arith.constant 0 : i32
      %dma_start3A_60 = tpu.memref_slice %arg10[%rem3A_53, %dma_start3A_58, %dma_start3A_59] : memref<6x128x64xf32, #tpu.memory_space<vmem>> -> memref<1x128x64xf32, #tpu.memory_space<vmem>>
      %dma_start3A_61 = tpu.memref_squeeze %dma_start3A_60 : memref<1x128x64xf32, #tpu.memory_space<vmem>> -> memref<128x64xf32, #tpu.memory_space<vmem>>
      %dma_start3A_62 = arith.constant 0 : i32
      %dma_start3A_63 = tpu.memref_slice %arg8[%dma_start3A_57, %dma_start3A_62] : memref<158x128xi32, #tpu.memory_space<vmem>> -> memref<1x128xi32, #tpu.memory_space<vmem>>
      %dma_start3A_64 = tpu.memref_squeeze %dma_start3A_63 : memref<1x128xi32, #tpu.memory_space<vmem>> -> memref<128xi32, #tpu.memory_space<vmem>>
      %dma_start3A_65 = arith.constant 0 : i32
      %dma_start3A_66 = arith.constant 0 : i32
      %dma_start3A_67 = tpu.memref_slice %arg3[%dma_start3A_65, %dma_start3A_66] : memref<10000x64xf32, #tpu.memory_space<hbm>> -> memref<10000x64xf32, #tpu.memory_space<hbm>>
      %dma_start3A_68 = tpu.memref_slice %arg12[%rem3A_56] : memref<6x!tpu.dma_semaphore, #tpu.memory_space<semaphore_mem>> -> memref<1x!tpu.dma_semaphore, #tpu.memory_space<semaphore_mem>>
      %dma_start3A_69 = tpu.memref_squeeze %dma_start3A_68 : memref<1x!tpu.dma_semaphore, #tpu.memory_space<semaphore_mem>> -> memref<!tpu.dma_semaphore, #tpu.memory_space<semaphore_mem>>
      tpu.enqueue_indirect_dma source(%dma_start3A_67 : memref<10000x64xf32, #tpu.memory_space<hbm>>) target(%dma_start3A_61 : memref<128x64xf32, #tpu.memory_space<vmem>>) offsets(%dma_start3A_64 : memref<128xi32, #tpu.memory_space<vmem>>) semaphore(%dma_start3A_69 : memref<!tpu.dma_semaphore, #tpu.memory_space<semaphore_mem>>)
      %rem3A_70 = arith.constant 3 : i32
      %rem3A_71 = arith.constant 6 : i32
      %rem3A_72 = arith.remsi %rem3A_70, %rem3A_71 : i32
      %rem3A_73 = arith.constant 3 : i32
      %rem3A_74 = arith.constant 6 : i32
      %rem3A_75 = arith.remsi %rem3A_73, %rem3A_74 : i32
      %dma_start3A_76 = arith.constant 3 : i32
      %dma_start3A_77 = arith.constant 0 : i32
      %dma_start3A_78 = arith.constant 0 : i32
      %dma_start3A_79 = tpu.memref_slice %arg10[%rem3A_72, %dma_start3A_77, %dma_start3A_78] : memref<6x128x64xf32, #tpu.memory_space<vmem>> -> memref<1x128x64xf32, #tpu.memory_space<vmem>>
      %dma_start3A_80 = tpu.memref_squeeze %dma_start3A_79 : memref<1x128x64xf32, #tpu.memory_space<vmem>> -> memref<128x64xf32, #tpu.memory_space<vmem>>
      %dma_start3A_81 = arith.constant 0 : i32
      %dma_start3A_82 = tpu.memref_slice %arg8[%dma_start3A_76, %dma_start3A_81] : memref<158x128xi32, #tpu.memory_space<vmem>> -> memref<1x128xi32, #tpu.memory_space<vmem>>
      %dma_start3A_83 = tpu.memref_squeeze %dma_start3A_82 : memref<1x128xi32, #tpu.memory_space<vmem>> -> memref<128xi32, #tpu.memory_space<vmem>>
      %dma_start3A_84 = arith.constant 0 : i32
      %dma_start3A_85 = arith.constant 0 : i32
      %dma_start3A_86 = tpu.memref_slice %arg3[%dma_start3A_84, %dma_start3A_85] : memref<10000x64xf32, #tpu.memory_space<hbm>> -> memref<10000x64xf32, #tpu.memory_space<hbm>>
      %dma_start3A_87 = tpu.memref_slice %arg12[%rem3A_75] : memref<6x!tpu.dma_semaphore, #tpu.memory_space<semaphore_mem>> -> memref<1x!tpu.dma_semaphore, #tpu.memory_space<semaphore_mem>>
      %dma_start3A_88 = tpu.memref_squeeze %dma_start3A_87 : memref<1x!tpu.dma_semaphore, #tpu.memory_space<semaphore_mem>> -> memref<!tpu.dma_semaphore, #tpu.memory_space<semaphore_mem>>
      tpu.enqueue_indirect_dma source(%dma_start3A_86 : memref<10000x64xf32, #tpu.memory_space<hbm>>) target(%dma_start3A_80 : memref<128x64xf32, #tpu.memory_space<vmem>>) offsets(%dma_start3A_83 : memref<128xi32, #tpu.memory_space<vmem>>) semaphore(%dma_start3A_88 : memref<!tpu.dma_semaphore, #tpu.memory_space<semaphore_mem>>)
      %rem3A_89 = arith.constant 4 : i32
      %rem3A_90 = arith.constant 6 : i32
      %rem3A_91 = arith.remsi %rem3A_89, %rem3A_90 : i32
      %rem3A_92 = arith.constant 4 : i32
      %rem3A_93 = arith.constant 6 : i32
      %rem3A_94 = arith.remsi %rem3A_92, %rem3A_93 : i32
      %dma_start3A_95 = arith.constant 4 : i32
      %dma_start3A_96 = arith.constant 0 : i32
      %dma_start3A_97 = arith.constant 0 : i32
      %dma_start3A_98 = tpu.memref_slice %arg10[%rem3A_91, %dma_start3A_96, %dma_start3A_97] : memref<6x128x64xf32, #tpu.memory_space<vmem>> -> memref<1x128x64xf32, #tpu.memory_space<vmem>>
      %dma_start3A_99 = tpu.memref_squeeze %dma_start3A_98 : memref<1x128x64xf32, #tpu.memory_space<vmem>> -> memref<128x64xf32, #tpu.memory_space<vmem>>
      %dma_start3A_100 = arith.constant 0 : i32
      %dma_start3A_101 = tpu.memref_slice %arg8[%dma_start3A_95, %dma_start3A_100] : memref<158x128xi32, #tpu.memory_space<vmem>> -> memref<1x128xi32, #tpu.memory_space<vmem>>
      %dma_start3A_102 = tpu.memref_squeeze %dma_start3A_101 : memref<1x128xi32, #tpu.memory_space<vmem>> -> memref<128xi32, #tpu.memory_space<vmem>>
      %dma_start3A_103 = arith.constant 0 : i32
      %dma_start3A_104 = arith.constant 0 : i32
      %dma_start3A_105 = tpu.memref_slice %arg3[%dma_start3A_103, %dma_start3A_104] : memref<10000x64xf32, #tpu.memory_space<hbm>> -> memref<10000x64xf32, #tpu.memory_space<hbm>>
      %dma_start3A_106 = tpu.memref_slice %arg12[%rem3A_94] : memref<6x!tpu.dma_semaphore, #tpu.memory_space<semaphore_mem>> -> memref<1x!tpu.dma_semaphore, #tpu.memory_space<semaphore_mem>>
      %dma_start3A_107 = tpu.memref_squeeze %dma_start3A_106 : memref<1x!tpu.dma_semaphore, #tpu.memory_space<semaphore_mem>> -> memref<!tpu.dma_semaphore, #tpu.memory_space<semaphore_mem>>
      tpu.enqueue_indirect_dma source(%dma_start3A_105 : memref<10000x64xf32, #tpu.memory_space<hbm>>) target(%dma_start3A_99 : memref<128x64xf32, #tpu.memory_space<vmem>>) offsets(%dma_start3A_102 : memref<128xi32, #tpu.memory_space<vmem>>) semaphore(%dma_start3A_107 : memref<!tpu.dma_semaphore, #tpu.memory_space<semaphore_mem>>)
      %scan3A = arith.constant 0 : i32
      %scan3A_108 = arith.constant 0 : i32
      %scan3A_109 = arith.constant 158 : i32
      %scan3A_110 = arith.addi %scan3A_108, %scan3A_109 : i32
      %scan3A_111 = arith.constant 1 : i32
      scf.for %scan3A_226 = %scan3A_108 to %scan3A_110 step %scan3A_111  : i32 {
        %rem3A_227 = arith.constant 6 : i32
        %rem3A_228 = arith.remsi %scan3A_226, %rem3A_227 : i32
        %rem3A_229 = arith.constant 6 : i32
        %rem3A_230 = arith.remsi %scan3A_226, %rem3A_229 : i32
        %dma_wait3A_231 = arith.constant 0 : i32
        %dma_wait3A_232 = arith.constant 0 : i32
        %dma_wait3A_233 = tpu.memref_slice %arg10[%rem3A_228, %dma_wait3A_231, %dma_wait3A_232] : memref<6x128x64xf32, #tpu.memory_space<vmem>> -> memref<1x128x64xf32, #tpu.memory_space<vmem>>
        %dma_wait3A_234 = tpu.memref_squeeze %dma_wait3A_233 : memref<1x128x64xf32, #tpu.memory_space<vmem>> -> memref<128x64xf32, #tpu.memory_space<vmem>>
        %dma_wait3A_235 = arith.constant 0 : i32
        %dma_wait3A_236 = tpu.memref_slice %arg8[%scan3A_226, %dma_wait3A_235] : memref<158x128xi32, #tpu.memory_space<vmem>> -> memref<1x128xi32, #tpu.memory_space<vmem>>
        %dma_wait3A_237 = tpu.memref_squeeze %dma_wait3A_236 : memref<1x128xi32, #tpu.memory_space<vmem>> -> memref<128xi32, #tpu.memory_space<vmem>>
        %dma_wait3A_238 = arith.constant 0 : i32
        %dma_wait3A_239 = arith.constant 0 : i32
        %dma_wait3A_240 = tpu.memref_slice %arg3[%dma_wait3A_238, %dma_wait3A_239] : memref<10000x64xf32, #tpu.memory_space<hbm>> -> memref<10000x64xf32, #tpu.memory_space<hbm>>
        %dma_wait3A_241 = tpu.memref_slice %arg12[%rem3A_230] : memref<6x!tpu.dma_semaphore, #tpu.memory_space<semaphore_mem>> -> memref<1x!tpu.dma_semaphore, #tpu.memory_space<semaphore_mem>>
        %dma_wait3A_242 = tpu.memref_squeeze %dma_wait3A_241 : memref<1x!tpu.dma_semaphore, #tpu.memory_space<semaphore_mem>> -> memref<!tpu.dma_semaphore, #tpu.memory_space<semaphore_mem>>
        tpu.wait_indirect_dma semaphore(%dma_wait3A_242 : memref<!tpu.dma_semaphore, #tpu.memory_space<semaphore_mem>>) src(%dma_wait3A_240 : memref<10000x64xf32, #tpu.memory_space<hbm>>) dst(%dma_wait3A_234 : memref<128x64xf32, #tpu.memory_space<vmem>>)
        %rem3A_243 = arith.constant 6 : i32
        %rem3A_244 = arith.remsi %scan3A_226, %rem3A_243 : i32
        %rem3A_245 = arith.constant 6 : i32
        %rem3A_246 = arith.remsi %scan3A_226, %rem3A_245 : i32
        %dma_start3A_247 = arith.constant 0 : i32
        %dma_start3A_248 = arith.constant 0 : i32
        %dma_start3A_249 = tpu.memref_slice %arg10[%rem3A_244, %dma_start3A_247, %dma_start3A_248] : memref<6x128x64xf32, #tpu.memory_space<vmem>> -> memref<1x128x64xf32, #tpu.memory_space<vmem>>
        %dma_start3A_250 = tpu.memref_squeeze %dma_start3A_249 : memref<1x128x64xf32, #tpu.memory_space<vmem>> -> memref<128x64xf32, #tpu.memory_space<vmem>>
        %dma_start3A_251 = arith.constant 0 : i32
        %dma_start3A_252 = tpu.memref_slice %arg9[%scan3A_226, %dma_start3A_251] : memref<158x128xi32, #tpu.memory_space<vmem>> -> memref<1x128xi32, #tpu.memory_space<vmem>>
        %dma_start3A_253 = tpu.memref_squeeze %dma_start3A_252 : memref<1x128xi32, #tpu.memory_space<vmem>> -> memref<128xi32, #tpu.memory_space<vmem>>
        %dma_start3A_254 = arith.constant 0 : i32
        %dma_start3A_255 = arith.constant 0 : i32
        %dma_start3A_256 = tpu.memref_slice %arg11[%dma_start3A_254, %dma_start3A_255] : memref<10112x64xf32, #tpu.memory_space<vmem_shared>> -> memref<10112x64xf32, #tpu.memory_space<vmem_shared>>
        %dma_start3A_257 = tpu.memref_slice %arg13[%rem3A_246] : memref<6x!tpu.dma_semaphore, #tpu.memory_space<semaphore_mem>> -> memref<1x!tpu.dma_semaphore, #tpu.memory_space<semaphore_mem>>
        %dma_start3A_258 = tpu.memref_squeeze %dma_start3A_257 : memref<1x!tpu.dma_semaphore, #tpu.memory_space<semaphore_mem>> -> memref<!tpu.dma_semaphore, #tpu.memory_space<semaphore_mem>>
        tpu.enqueue_indirect_dma source(%dma_start3A_250 : memref<128x64xf32, #tpu.memory_space<vmem>>) target(%dma_start3A_256 : memref<10112x64xf32, #tpu.memory_space<vmem_shared>>) offsets(%dma_start3A_253 : memref<128xi32, #tpu.memory_space<vmem>>) semaphore(%dma_start3A_258 : memref<!tpu.dma_semaphore, #tpu.memory_space<semaphore_mem>>) {add = true}
        %add3A = arith.constant 6 : i32
        %add3A_259 = arith.addi %scan3A_226, %add3A : i32
        %sub3A = arith.constant 1 : i32
        %sub3A_260 = arith.subi %add3A_259, %sub3A : i32
        %lt3A = arith.constant 158 : i32
        %lt3A_261 = arith.cmpi slt, %sub3A_260, %lt3A : i32
        %convert_element_type3A_262 = arith.extui %lt3A_261 : i1 to i32
        %cond3A_263 = arith.constant 0 : i32
        %cond3A_264 = arith.cmpi ne, %convert_element_type3A_262, %cond3A_263 : i32
        scf.if %cond3A_264 {
          %ge3A = arith.constant 1 : i32
          %ge3A_265 = arith.cmpi sge, %scan3A_226, %ge3A : i32
          %convert_element_type3A_266 = arith.extui %ge3A_265 : i1 to i32
          %cond3A_267 = arith.constant 0 : i32
          %cond3A_268 = arith.cmpi ne, %convert_element_type3A_266, %cond3A_267 : i32
          scf.if %cond3A_268 {
            %sub3A_289 = arith.constant 1 : i32
            %sub3A_290 = arith.subi %scan3A_226, %sub3A_289 : i32
            %rem3A_291 = arith.constant 6 : i32
            %rem3A_292 = arith.remsi %sub3A_290, %rem3A_291 : i32
            %rem3A_293 = arith.constant 6 : i32
            %rem3A_294 = arith.remsi %sub3A_290, %rem3A_293 : i32
            %dma_wait3A_295 = arith.constant 0 : i32
            %dma_wait3A_296 = arith.constant 0 : i32
            %dma_wait3A_297 = tpu.memref_slice %arg10[%rem3A_292, %dma_wait3A_295, %dma_wait3A_296] : memref<6x128x64xf32, #tpu.memory_space<vmem>> -> memref<1x128x64xf32, #tpu.memory_space<vmem>>
            %dma_wait3A_298 = tpu.memref_squeeze %dma_wait3A_297 : memref<1x128x64xf32, #tpu.memory_space<vmem>> -> memref<128x64xf32, #tpu.memory_space<vmem>>
            %dma_wait3A_299 = arith.constant 0 : i32
            %dma_wait3A_300 = tpu.memref_slice %arg9[%sub3A_290, %dma_wait3A_299] : memref<158x128xi32, #tpu.memory_space<vmem>> -> memref<1x128xi32, #tpu.memory_space<vmem>>
            %dma_wait3A_301 = tpu.memref_squeeze %dma_wait3A_300 : memref<1x128xi32, #tpu.memory_space<vmem>> -> memref<128xi32, #tpu.memory_space<vmem>>
            %dma_wait3A_302 = arith.constant 0 : i32
            %dma_wait3A_303 = arith.constant 0 : i32
            %dma_wait3A_304 = tpu.memref_slice %arg11[%dma_wait3A_302, %dma_wait3A_303] : memref<10112x64xf32, #tpu.memory_space<vmem_shared>> -> memref<10112x64xf32, #tpu.memory_space<vmem_shared>>
            %dma_wait3A_305 = tpu.memref_slice %arg13[%rem3A_294] : memref<6x!tpu.dma_semaphore, #tpu.memory_space<semaphore_mem>> -> memref<1x!tpu.dma_semaphore, #tpu.memory_space<semaphore_mem>>
            %dma_wait3A_306 = tpu.memref_squeeze %dma_wait3A_305 : memref<1x!tpu.dma_semaphore, #tpu.memory_space<semaphore_mem>> -> memref<!tpu.dma_semaphore, #tpu.memory_space<semaphore_mem>>
            tpu.wait_indirect_dma semaphore(%dma_wait3A_306 : memref<!tpu.dma_semaphore, #tpu.memory_space<semaphore_mem>>) src(%dma_wait3A_298 : memref<128x64xf32, #tpu.memory_space<vmem>>) dst(%dma_wait3A_304 : memref<10112x64xf32, #tpu.memory_space<vmem_shared>>)
          } else {
          }
          %add3A_269 = arith.constant 6 : i32
          %add3A_270 = arith.addi %scan3A_226, %add3A_269 : i32
          %sub3A_271 = arith.constant 1 : i32
          %sub3A_272 = arith.subi %add3A_270, %sub3A_271 : i32
          %rem3A_273 = arith.constant 6 : i32
          %rem3A_274 = arith.remsi %sub3A_272, %rem3A_273 : i32
          %rem3A_275 = arith.constant 6 : i32
          %rem3A_276 = arith.remsi %sub3A_272, %rem3A_275 : i32
          %dma_start3A_277 = arith.constant 0 : i32
          %dma_start3A_278 = arith.constant 0 : i32
          %dma_start3A_279 = tpu.memref_slice %arg10[%rem3A_274, %dma_start3A_277, %dma_start3A_278] : memref<6x128x64xf32, #tpu.memory_space<vmem>> -> memref<1x128x64xf32, #tpu.memory_space<vmem>>
          %dma_start3A_280 = tpu.memref_squeeze %dma_start3A_279 : memref<1x128x64xf32, #tpu.memory_space<vmem>> -> memref<128x64xf32, #tpu.memory_space<vmem>>
          %dma_start3A_281 = arith.constant 0 : i32
          %dma_start3A_282 = tpu.memref_slice %arg8[%sub3A_272, %dma_start3A_281] : memref<158x128xi32, #tpu.memory_space<vmem>> -> memref<1x128xi32, #tpu.memory_space<vmem>>
          %dma_start3A_283 = tpu.memref_squeeze %dma_start3A_282 : memref<1x128xi32, #tpu.memory_space<vmem>> -> memref<128xi32, #tpu.memory_space<vmem>>
          %dma_start3A_284 = arith.constant 0 : i32
          %dma_start3A_285 = arith.constant 0 : i32
          %dma_start3A_286 = tpu.memref_slice %arg3[%dma_start3A_284, %dma_start3A_285] : memref<10000x64xf32, #tpu.memory_space<hbm>> -> memref<10000x64xf32, #tpu.memory_space<hbm>>
          %dma_start3A_287 = tpu.memref_slice %arg12[%rem3A_276] : memref<6x!tpu.dma_semaphore, #tpu.memory_space<semaphore_mem>> -> memref<1x!tpu.dma_semaphore, #tpu.memory_space<semaphore_mem>>
          %dma_start3A_288 = tpu.memref_squeeze %dma_start3A_287 : memref<1x!tpu.dma_semaphore, #tpu.memory_space<semaphore_mem>> -> memref<!tpu.dma_semaphore, #tpu.memory_space<semaphore_mem>>
          tpu.enqueue_indirect_dma source(%dma_start3A_286 : memref<10000x64xf32, #tpu.memory_space<hbm>>) target(%dma_start3A_280 : memref<128x64xf32, #tpu.memory_space<vmem>>) offsets(%dma_start3A_283 : memref<128xi32, #tpu.memory_space<vmem>>) semaphore(%dma_start3A_288 : memref<!tpu.dma_semaphore, #tpu.memory_space<semaphore_mem>>)
        } else {
        }
      }
      %scan3A_112 = arith.constant 158 : i32
      %rem3A_113 = arith.constant 152 : i32
      %rem3A_114 = arith.constant 6 : i32
      %rem3A_115 = arith.remsi %rem3A_113, %rem3A_114 : i32
      %rem3A_116 = arith.constant 152 : i32
      %rem3A_117 = arith.constant 6 : i32
      %rem3A_118 = arith.remsi %rem3A_116, %rem3A_117 : i32
      %dma_wait3A = arith.constant 152 : i32
      %dma_wait3A_119 = arith.constant 0 : i32
      %dma_wait3A_120 = arith.constant 0 : i32
      %dma_wait3A_121 = tpu.memref_slice %arg10[%rem3A_115, %dma_wait3A_119, %dma_wait3A_120] : memref<6x128x64xf32, #tpu.memory_space<vmem>> -> memref<1x128x64xf32, #tpu.memory_space<vmem>>
      %dma_wait3A_122 = tpu.memref_squeeze %dma_wait3A_121 : memref<1x128x64xf32, #tpu.memory_space<vmem>> -> memref<128x64xf32, #tpu.memory_space<vmem>>
      %dma_wait3A_123 = arith.constant 0 : i32
      %dma_wait3A_124 = tpu.memref_slice %arg9[%dma_wait3A, %dma_wait3A_123] : memref<158x128xi32, #tpu.memory_space<vmem>> -> memref<1x128xi32, #tpu.memory_space<vmem>>
      %dma_wait3A_125 = tpu.memref_squeeze %dma_wait3A_124 : memref<1x128xi32, #tpu.memory_space<vmem>> -> memref<128xi32, #tpu.memory_space<vmem>>
      %dma_wait3A_126 = arith.constant 0 : i32
      %dma_wait3A_127 = arith.constant 0 : i32
      %dma_wait3A_128 = tpu.memref_slice %arg11[%dma_wait3A_126, %dma_wait3A_127] : memref<10112x64xf32, #tpu.memory_space<vmem_shared>> -> memref<10112x64xf32, #tpu.memory_space<vmem_shared>>
      %dma_wait3A_129 = tpu.memref_slice %arg13[%rem3A_118] : memref<6x!tpu.dma_semaphore, #tpu.memory_space<semaphore_mem>> -> memref<1x!tpu.dma_semaphore, #tpu.memory_space<semaphore_mem>>
      %dma_wait3A_130 = tpu.memref_squeeze %dma_wait3A_129 : memref<1x!tpu.dma_semaphore, #tpu.memory_space<semaphore_mem>> -> memref<!tpu.dma_semaphore, #tpu.memory_space<semaphore_mem>>
      tpu.wait_indirect_dma semaphore(%dma_wait3A_130 : memref<!tpu.dma_semaphore, #tpu.memory_space<semaphore_mem>>) src(%dma_wait3A_122 : memref<128x64xf32, #tpu.memory_space<vmem>>) dst(%dma_wait3A_128 : memref<10112x64xf32, #tpu.memory_space<vmem_shared>>)
      %rem3A_131 = arith.constant 153 : i32
      %rem3A_132 = arith.constant 6 : i32
      %rem3A_133 = arith.remsi %rem3A_131, %rem3A_132 : i32
      %rem3A_134 = arith.constant 153 : i32
      %rem3A_135 = arith.constant 6 : i32
      %rem3A_136 = arith.remsi %rem3A_134, %rem3A_135 : i32
      %dma_wait3A_137 = arith.constant 153 : i32
      %dma_wait3A_138 = arith.constant 0 : i32
      %dma_wait3A_139 = arith.constant 0 : i32
      %dma_wait3A_140 = tpu.memref_slice %arg10[%rem3A_133, %dma_wait3A_138, %dma_wait3A_139] : memref<6x128x64xf32, #tpu.memory_space<vmem>> -> memref<1x128x64xf32, #tpu.memory_space<vmem>>
      %dma_wait3A_141 = tpu.memref_squeeze %dma_wait3A_140 : memref<1x128x64xf32, #tpu.memory_space<vmem>> -> memref<128x64xf32, #tpu.memory_space<vmem>>
      %dma_wait3A_142 = arith.constant 0 : i32
      %dma_wait3A_143 = tpu.memref_slice %arg9[%dma_wait3A_137, %dma_wait3A_142] : memref<158x128xi32, #tpu.memory_space<vmem>> -> memref<1x128xi32, #tpu.memory_space<vmem>>
      %dma_wait3A_144 = tpu.memref_squeeze %dma_wait3A_143 : memref<1x128xi32, #tpu.memory_space<vmem>> -> memref<128xi32, #tpu.memory_space<vmem>>
      %dma_wait3A_145 = arith.constant 0 : i32
      %dma_wait3A_146 = arith.constant 0 : i32
      %dma_wait3A_147 = tpu.memref_slice %arg11[%dma_wait3A_145, %dma_wait3A_146] : memref<10112x64xf32, #tpu.memory_space<vmem_shared>> -> memref<10112x64xf32, #tpu.memory_space<vmem_shared>>
      %dma_wait3A_148 = tpu.memref_slice %arg13[%rem3A_136] : memref<6x!tpu.dma_semaphore, #tpu.memory_space<semaphore_mem>> -> memref<1x!tpu.dma_semaphore, #tpu.memory_space<semaphore_mem>>
      %dma_wait3A_149 = tpu.memref_squeeze %dma_wait3A_148 : memref<1x!tpu.dma_semaphore, #tpu.memory_space<semaphore_mem>> -> memref<!tpu.dma_semaphore, #tpu.memory_space<semaphore_mem>>
      tpu.wait_indirect_dma semaphore(%dma_wait3A_149 : memref<!tpu.dma_semaphore, #tpu.memory_space<semaphore_mem>>) src(%dma_wait3A_141 : memref<128x64xf32, #tpu.memory_space<vmem>>) dst(%dma_wait3A_147 : memref<10112x64xf32, #tpu.memory_space<vmem_shared>>)
      %rem3A_150 = arith.constant 154 : i32
      %rem3A_151 = arith.constant 6 : i32
      %rem3A_152 = arith.remsi %rem3A_150, %rem3A_151 : i32
      %rem3A_153 = arith.constant 154 : i32
      %rem3A_154 = arith.constant 6 : i32
      %rem3A_155 = arith.remsi %rem3A_153, %rem3A_154 : i32
      %dma_wait3A_156 = arith.constant 154 : i32
      %dma_wait3A_157 = arith.constant 0 : i32
      %dma_wait3A_158 = arith.constant 0 : i32
      %dma_wait3A_159 = tpu.memref_slice %arg10[%rem3A_152, %dma_wait3A_157, %dma_wait3A_158] : memref<6x128x64xf32, #tpu.memory_space<vmem>> -> memref<1x128x64xf32, #tpu.memory_space<vmem>>
      %dma_wait3A_160 = tpu.memref_squeeze %dma_wait3A_159 : memref<1x128x64xf32, #tpu.memory_space<vmem>> -> memref<128x64xf32, #tpu.memory_space<vmem>>
      %dma_wait3A_161 = arith.constant 0 : i32
      %dma_wait3A_162 = tpu.memref_slice %arg9[%dma_wait3A_156, %dma_wait3A_161] : memref<158x128xi32, #tpu.memory_space<vmem>> -> memref<1x128xi32, #tpu.memory_space<vmem>>
      %dma_wait3A_163 = tpu.memref_squeeze %dma_wait3A_162 : memref<1x128xi32, #tpu.memory_space<vmem>> -> memref<128xi32, #tpu.memory_space<vmem>>
      %dma_wait3A_164 = arith.constant 0 : i32
      %dma_wait3A_165 = arith.constant 0 : i32
      %dma_wait3A_166 = tpu.memref_slice %arg11[%dma_wait3A_164, %dma_wait3A_165] : memref<10112x64xf32, #tpu.memory_space<vmem_shared>> -> memref<10112x64xf32, #tpu.memory_space<vmem_shared>>
      %dma_wait3A_167 = tpu.memref_slice %arg13[%rem3A_155] : memref<6x!tpu.dma_semaphore, #tpu.memory_space<semaphore_mem>> -> memref<1x!tpu.dma_semaphore, #tpu.memory_space<semaphore_mem>>
      %dma_wait3A_168 = tpu.memref_squeeze %dma_wait3A_167 : memref<1x!tpu.dma_semaphore, #tpu.memory_space<semaphore_mem>> -> memref<!tpu.dma_semaphore, #tpu.memory_space<semaphore_mem>>
      tpu.wait_indirect_dma semaphore(%dma_wait3A_168 : memref<!tpu.dma_semaphore, #tpu.memory_space<semaphore_mem>>) src(%dma_wait3A_160 : memref<128x64xf32, #tpu.memory_space<vmem>>) dst(%dma_wait3A_166 : memref<10112x64xf32, #tpu.memory_space<vmem_shared>>)
      %rem3A_169 = arith.constant 155 : i32
      %rem3A_170 = arith.constant 6 : i32
      %rem3A_171 = arith.remsi %rem3A_169, %rem3A_170 : i32
      %rem3A_172 = arith.constant 155 : i32
      %rem3A_173 = arith.constant 6 : i32
      %rem3A_174 = arith.remsi %rem3A_172, %rem3A_173 : i32
      %dma_wait3A_175 = arith.constant 155 : i32
      %dma_wait3A_176 = arith.constant 0 : i32
      %dma_wait3A_177 = arith.constant 0 : i32
      %dma_wait3A_178 = tpu.memref_slice %arg10[%rem3A_171, %dma_wait3A_176, %dma_wait3A_177] : memref<6x128x64xf32, #tpu.memory_space<vmem>> -> memref<1x128x64xf32, #tpu.memory_space<vmem>>
      %dma_wait3A_179 = tpu.memref_squeeze %dma_wait3A_178 : memref<1x128x64xf32, #tpu.memory_space<vmem>> -> memref<128x64xf32, #tpu.memory_space<vmem>>
      %dma_wait3A_180 = arith.constant 0 : i32
      %dma_wait3A_181 = tpu.memref_slice %arg9[%dma_wait3A_175, %dma_wait3A_180] : memref<158x128xi32, #tpu.memory_space<vmem>> -> memref<1x128xi32, #tpu.memory_space<vmem>>
      %dma_wait3A_182 = tpu.memref_squeeze %dma_wait3A_181 : memref<1x128xi32, #tpu.memory_space<vmem>> -> memref<128xi32, #tpu.memory_space<vmem>>
      %dma_wait3A_183 = arith.constant 0 : i32
      %dma_wait3A_184 = arith.constant 0 : i32
      %dma_wait3A_185 = tpu.memref_slice %arg11[%dma_wait3A_183, %dma_wait3A_184] : memref<10112x64xf32, #tpu.memory_space<vmem_shared>> -> memref<10112x64xf32, #tpu.memory_space<vmem_shared>>
      %dma_wait3A_186 = tpu.memref_slice %arg13[%rem3A_174] : memref<6x!tpu.dma_semaphore, #tpu.memory_space<semaphore_mem>> -> memref<1x!tpu.dma_semaphore, #tpu.memory_space<semaphore_mem>>
      %dma_wait3A_187 = tpu.memref_squeeze %dma_wait3A_186 : memref<1x!tpu.dma_semaphore, #tpu.memory_space<semaphore_mem>> -> memref<!tpu.dma_semaphore, #tpu.memory_space<semaphore_mem>>
      tpu.wait_indirect_dma semaphore(%dma_wait3A_187 : memref<!tpu.dma_semaphore, #tpu.memory_space<semaphore_mem>>) src(%dma_wait3A_179 : memref<128x64xf32, #tpu.memory_space<vmem>>) dst(%dma_wait3A_185 : memref<10112x64xf32, #tpu.memory_space<vmem_shared>>)
      %rem3A_188 = arith.constant 156 : i32
      %rem3A_189 = arith.constant 6 : i32
      %rem3A_190 = arith.remsi %rem3A_188, %rem3A_189 : i32
      %rem3A_191 = arith.constant 156 : i32
      %rem3A_192 = arith.constant 6 : i32
      %rem3A_193 = arith.remsi %rem3A_191, %rem3A_192 : i32
      %dma_wait3A_194 = arith.constant 156 : i32
      %dma_wait3A_195 = arith.constant 0 : i32
      %dma_wait3A_196 = arith.constant 0 : i32
      %dma_wait3A_197 = tpu.memref_slice %arg10[%rem3A_190, %dma_wait3A_195, %dma_wait3A_196] : memref<6x128x64xf32, #tpu.memory_space<vmem>> -> memref<1x128x64xf32, #tpu.memory_space<vmem>>
      %dma_wait3A_198 = tpu.memref_squeeze %dma_wait3A_197 : memref<1x128x64xf32, #tpu.memory_space<vmem>> -> memref<128x64xf32, #tpu.memory_space<vmem>>
      %dma_wait3A_199 = arith.constant 0 : i32
      %dma_wait3A_200 = tpu.memref_slice %arg9[%dma_wait3A_194, %dma_wait3A_199] : memref<158x128xi32, #tpu.memory_space<vmem>> -> memref<1x128xi32, #tpu.memory_space<vmem>>
      %dma_wait3A_201 = tpu.memref_squeeze %dma_wait3A_200 : memref<1x128xi32, #tpu.memory_space<vmem>> -> memref<128xi32, #tpu.memory_space<vmem>>
      %dma_wait3A_202 = arith.constant 0 : i32
      %dma_wait3A_203 = arith.constant 0 : i32
      %dma_wait3A_204 = tpu.memref_slice %arg11[%dma_wait3A_202, %dma_wait3A_203] : memref<10112x64xf32, #tpu.memory_space<vmem_shared>> -> memref<10112x64xf32, #tpu.memory_space<vmem_shared>>
      %dma_wait3A_205 = tpu.memref_slice %arg13[%rem3A_193] : memref<6x!tpu.dma_semaphore, #tpu.memory_space<semaphore_mem>> -> memref<1x!tpu.dma_semaphore, #tpu.memory_space<semaphore_mem>>
      %dma_wait3A_206 = tpu.memref_squeeze %dma_wait3A_205 : memref<1x!tpu.dma_semaphore, #tpu.memory_space<semaphore_mem>> -> memref<!tpu.dma_semaphore, #tpu.memory_space<semaphore_mem>>
      tpu.wait_indirect_dma semaphore(%dma_wait3A_206 : memref<!tpu.dma_semaphore, #tpu.memory_space<semaphore_mem>>) src(%dma_wait3A_198 : memref<128x64xf32, #tpu.memory_space<vmem>>) dst(%dma_wait3A_204 : memref<10112x64xf32, #tpu.memory_space<vmem_shared>>)
      %rem3A_207 = arith.constant 157 : i32
      %rem3A_208 = arith.constant 6 : i32
      %rem3A_209 = arith.remsi %rem3A_207, %rem3A_208 : i32
      %rem3A_210 = arith.constant 157 : i32
      %rem3A_211 = arith.constant 6 : i32
      %rem3A_212 = arith.remsi %rem3A_210, %rem3A_211 : i32
      %dma_wait3A_213 = arith.constant 157 : i32
      %dma_wait3A_214 = arith.constant 0 : i32
      %dma_wait3A_215 = arith.constant 0 : i32
      %dma_wait3A_216 = tpu.memref_slice %arg10[%rem3A_209, %dma_wait3A_214, %dma_wait3A_215] : memref<6x128x64xf32, #tpu.memory_space<vmem>> -> memref<1x128x64xf32, #tpu.memory_space<vmem>>
      %dma_wait3A_217 = tpu.memref_squeeze %dma_wait3A_216 : memref<1x128x64xf32, #tpu.memory_space<vmem>> -> memref<128x64xf32, #tpu.memory_space<vmem>>
      %dma_wait3A_218 = arith.constant 0 : i32
      %dma_wait3A_219 = tpu.memref_slice %arg9[%dma_wait3A_213, %dma_wait3A_218] : memref<158x128xi32, #tpu.memory_space<vmem>> -> memref<1x128xi32, #tpu.memory_space<vmem>>
      %dma_wait3A_220 = tpu.memref_squeeze %dma_wait3A_219 : memref<1x128xi32, #tpu.memory_space<vmem>> -> memref<128xi32, #tpu.memory_space<vmem>>
      %dma_wait3A_221 = arith.constant 0 : i32
      %dma_wait3A_222 = arith.constant 0 : i32
      %dma_wait3A_223 = tpu.memref_slice %arg11[%dma_wait3A_221, %dma_wait3A_222] : memref<10112x64xf32, #tpu.memory_space<vmem_shared>> -> memref<10112x64xf32, #tpu.memory_space<vmem_shared>>
      %dma_wait3A_224 = tpu.memref_slice %arg13[%rem3A_212] : memref<6x!tpu.dma_semaphore, #tpu.memory_space<semaphore_mem>> -> memref<1x!tpu.dma_semaphore, #tpu.memory_space<semaphore_mem>>
      %dma_wait3A_225 = tpu.memref_squeeze %dma_wait3A_224 : memref<1x!tpu.dma_semaphore, #tpu.memory_space<semaphore_mem>> -> memref<!tpu.dma_semaphore, #tpu.memory_space<semaphore_mem>>
      tpu.wait_indirect_dma semaphore(%dma_wait3A_225 : memref<!tpu.dma_semaphore, #tpu.memory_space<semaphore_mem>>) src(%dma_wait3A_217 : memref<128x64xf32, #tpu.memory_space<vmem>>) dst(%dma_wait3A_223 : memref<10112x64xf32, #tpu.memory_space<vmem_shared>>)
    } else {
    }
    %barrier3A_10 = arith.constant 0 : index
    tpu.barrier barrier_id(%barrier3A_10)
    %mul3A_11 = arith.constant 632 : i32
    %mul3A_12 = arith.muli %arg1, %mul3A_11 : i32
    %mul3A_13 = arith.constant 632 : i32
    %mul3A_14 = arith.muli %arg1, %mul3A_13 : i32
    "tpu.region"() ({
      %run_scoped3A = tpu.sem_alloc : memref<!tpu.dma_semaphore, #tpu.memory_space<semaphore_mem>>
      %dma_start3A = arith.constant 0 : i32
      %dma_start3A_15 = tpu.memref_slice %arg7[%arg0, %mul3A_14, %dma_start3A] : memref<2x10112x64xf32, #tpu.memory_space<hbm>> -> memref<1x632x64xf32, #tpu.memory_space<hbm>>
      %dma_start3A_16 = tpu.memref_squeeze %dma_start3A_15 : memref<1x632x64xf32, #tpu.memory_space<hbm>> -> memref<632x64xf32, #tpu.memory_space<hbm>>
      %dma_start3A_17 = arith.constant 0 : i32
      %dma_start3A_18 = tpu.memref_slice %arg11[%mul3A_12, %dma_start3A_17] : memref<10112x64xf32, #tpu.memory_space<vmem_shared>> -> memref<632x64xf32, #tpu.memory_space<vmem_shared>>
      tpu.enqueue_dma source(%dma_start3A_18 : memref<632x64xf32, #tpu.memory_space<vmem_shared>>) target(%dma_start3A_16 : memref<632x64xf32, #tpu.memory_space<hbm>>) target_semaphore(%run_scoped3A : memref<!tpu.dma_semaphore, #tpu.memory_space<semaphore_mem>>)
      %dma_wait3A = arith.constant 0 : i32
      %dma_wait3A_19 = tpu.memref_slice %arg7[%arg0, %mul3A_14, %dma_wait3A] : memref<2x10112x64xf32, #tpu.memory_space<hbm>> -> memref<1x632x64xf32, #tpu.memory_space<hbm>>
      %dma_wait3A_20 = tpu.memref_squeeze %dma_wait3A_19 : memref<1x632x64xf32, #tpu.memory_space<hbm>> -> memref<632x64xf32, #tpu.memory_space<hbm>>
      %dma_wait3A_21 = arith.constant 0 : i32
      %dma_wait3A_22 = tpu.memref_slice %arg11[%mul3A_12, %dma_wait3A_21] : memref<10112x64xf32, #tpu.memory_space<vmem_shared>> -> memref<632x64xf32, #tpu.memory_space<vmem_shared>>
      tpu.wait_dma2 semaphore(%run_scoped3A : memref<!tpu.dma_semaphore, #tpu.memory_space<semaphore_mem>>) src(%dma_wait3A_22 : memref<632x64xf32, #tpu.memory_space<vmem_shared>>) dst(%dma_wait3A_20 : memref<632x64xf32, #tpu.memory_space<hbm>>)
      tpu.yield
    }) : () -> ()
    return
  }
}

module attributes {stable_mosaic.version = 14 : i64} {
  func.func @_tcA_body(%arg0: memref<2x10112x64xf32, #tpu.memory_space<vmem>>, %arg1: memref<10000x128xf32, #tpu.memory_space<vmem>>, %arg2: memref<128x8xf32, #tpu.memory_space<vmem>>, %arg3: memref<1x8xf32, #tpu.memory_space<vmem>>, %arg4: memref<128x8xf32, #tpu.memory_space<vmem>>, %arg5: memref<10000x8xf32, #tpu.memory_space<vmem>>) attributes {dimension_semantics = [], scalar_prefetch = 0 : i64, scratch_operands = 0 : i64, tpu.core_type = #tpu.core_type<tc>} {
    %get3A = arith.constant 0 : index
    %get3A_0 = arith.constant 0 : index
    %get3A_1 = arith.constant 0 : index
    %get3A_2 = vector.load %arg0[%get3A, %get3A_0, %get3A_1] : memref<2x10112x64xf32, #tpu.memory_space<vmem>>, vector<1x10000x64xf32>
    %get3A_3 = vector.shape_cast %get3A_2 : vector<1x10000x64xf32> to vector<10000x64xf32>
    %get3A_4 = arith.constant 1 : index
    %get3A_5 = arith.constant 0 : index
    %get3A_6 = arith.constant 0 : index
    %get3A_7 = vector.load %arg0[%get3A_4, %get3A_5, %get3A_6] : memref<2x10112x64xf32, #tpu.memory_space<vmem>>, vector<1x10000x64xf32>
    %get3A_8 = vector.shape_cast %get3A_7 : vector<1x10000x64xf32> to vector<10000x64xf32>
    %concatenate3A = tpu.concatenate %get3A_3, %get3A_8 in 1 : vector<10000x64xf32>, vector<10000x64xf32> -> vector<10000x128xf32>
    %get3A_9 = arith.constant 0 : index
    %get3A_10 = arith.constant 0 : index
    %get3A_11 = vector.load %arg2[%get3A_9, %get3A_10] : memref<128x8xf32, #tpu.memory_space<vmem>>, vector<128x8xf32>
    %convert_element_type3A = arith.truncf %concatenate3A : vector<10000x128xf32> to vector<10000x128xbf16>
    %convert_element_type3A_12 = arith.truncf %get3A_11 : vector<128x8xf32> to vector<128x8xbf16>
    %dot_general3A = arith.constant dense<0.000000e+00> : vector<10000x8xf32>
    %dot_general3A_13 = tpu.matmul %convert_element_type3A, %convert_element_type3A_12, %dot_general3A {dimension_numbers = #tpu.dot_dimension_numbers<[1], [0], [0], [1], [0, 0, 1, 1], [], []>, transpose_lhs_hint = false} : vector<10000x128xbf16>, vector<128x8xbf16>, vector<10000x8xf32> -> vector<10000x8xf32>
    %get3A_14 = arith.constant 0 : index
    %get3A_15 = arith.constant 0 : index
    %get3A_16 = vector.load %arg3[%get3A_14, %get3A_15] : memref<1x8xf32, #tpu.memory_space<vmem>>, vector<1x8xf32>
    %add3A = vector.broadcast %get3A_16 : vector<1x8xf32> to vector<10000x8xf32>
    %add3A_17 = arith.addf %dot_general3A_13, %add3A : vector<10000x8xf32>
    %get3A_18 = arith.constant 0 : index
    %get3A_19 = arith.constant 0 : index
    %get3A_20 = vector.load %arg1[%get3A_18, %get3A_19] : memref<10000x128xf32, #tpu.memory_space<vmem>>, vector<10000x128xf32>
    %get3A_21 = arith.constant 0 : index
    %get3A_22 = arith.constant 0 : index
    %get3A_23 = vector.load %arg4[%get3A_21, %get3A_22] : memref<128x8xf32, #tpu.memory_space<vmem>>, vector<128x8xf32>
    %convert_element_type3A_24 = arith.truncf %get3A_20 : vector<10000x128xf32> to vector<10000x128xbf16>
    %convert_element_type3A_25 = arith.truncf %get3A_23 : vector<128x8xf32> to vector<128x8xbf16>
    %dot_general3A_26 = arith.constant dense<0.000000e+00> : vector<10000x8xf32>
    %dot_general3A_27 = tpu.matmul %convert_element_type3A_24, %convert_element_type3A_25, %dot_general3A_26 {dimension_numbers = #tpu.dot_dimension_numbers<[1], [0], [0], [1], [0, 0, 1, 1], [], []>, transpose_lhs_hint = false} : vector<10000x128xbf16>, vector<128x8xbf16>, vector<10000x8xf32> -> vector<10000x8xf32>
    %add3A_28 = arith.addf %add3A_17, %dot_general3A_27 : vector<10000x8xf32>
    %max3A = arith.constant 0.000000e+00 : f32
    %max3A_29 = vector.broadcast %max3A : f32 to vector<10000x8xf32>
    %max3A_30 = arith.maximumf %add3A_28, %max3A_29 : vector<10000x8xf32>
    %swap3A = arith.constant 0 : index
    %swap3A_31 = arith.constant 0 : index
    %swap3A_32 = vector.load %arg5[%swap3A, %swap3A_31] : memref<10000x8xf32, #tpu.memory_space<vmem>>, vector<10000x8xf32>
    tpu.vector_store %arg5[%swap3A, %swap3A_31], %max3A_30 {strides = array<i32>} : memref<10000x8xf32, #tpu.memory_space<vmem>>, vector<10000x8xf32>,
    return
  }
}

module attributes {stable_mosaic.version = 14 : i64} {
  func.func @_tcB_body(%arg0: memref<2x10112x8xf32, #tpu.memory_space<vmem>>, %arg1: memref<10000x8xf32, #tpu.memory_space<vmem>>, %arg2: memref<8x16xf32, #tpu.memory_space<vmem>>, %arg3: memref<1x16xf32, #tpu.memory_space<vmem>>, %arg4: memref<8x16xf32, #tpu.memory_space<vmem>>, %arg5: memref<16x32xf32, #tpu.memory_space<vmem>>, %arg6: memref<1x32xf32, #tpu.memory_space<vmem>>, %arg7: memref<1x32xf32, #tpu.memory_space<vmem>>, %arg8: memref<1x1xf32, #tpu.memory_space<vmem>>, %arg9: memref<10000x1xf32, #tpu.memory_space<vmem>>) attributes {dimension_semantics = [], scalar_prefetch = 0 : i64, scratch_operands = 0 : i64, tpu.core_type = #tpu.core_type<tc>} {
    %get3A = arith.constant 0 : index
    %get3A_0 = arith.constant 0 : index
    %get3A_1 = arith.constant 0 : index
    %get3A_2 = vector.load %arg0[%get3A, %get3A_0, %get3A_1] : memref<2x10112x8xf32, #tpu.memory_space<vmem>>, vector<1x10000x8xf32>
    %get3A_3 = vector.shape_cast %get3A_2 : vector<1x10000x8xf32> to vector<10000x8xf32>
    %get3A_4 = arith.constant 1 : index
    %get3A_5 = arith.constant 0 : index
    %get3A_6 = arith.constant 0 : index
    %get3A_7 = vector.load %arg0[%get3A_4, %get3A_5, %get3A_6] : memref<2x10112x8xf32, #tpu.memory_space<vmem>>, vector<1x10000x8xf32>
    %get3A_8 = vector.shape_cast %get3A_7 : vector<1x10000x8xf32> to vector<10000x8xf32>
    %add3A = arith.addf %get3A_3, %get3A_8 : vector<10000x8xf32>
    %get3A_9 = arith.constant 0 : index
    %get3A_10 = arith.constant 0 : index
    %get3A_11 = vector.load %arg2[%get3A_9, %get3A_10] : memref<8x16xf32, #tpu.memory_space<vmem>>, vector<8x16xf32>
    %convert_element_type3A = arith.truncf %add3A : vector<10000x8xf32> to vector<10000x8xbf16>
    %convert_element_type3A_12 = arith.truncf %get3A_11 : vector<8x16xf32> to vector<8x16xbf16>
    %dot_general3A = arith.constant dense<0.000000e+00> : vector<10000x16xf32>
    %dot_general3A_13 = tpu.matmul %convert_element_type3A, %convert_element_type3A_12, %dot_general3A {dimension_numbers = #tpu.dot_dimension_numbers<[1], [0], [0], [1], [0, 0, 1, 1], [], []>, transpose_lhs_hint = false} : vector<10000x8xbf16>, vector<8x16xbf16>, vector<10000x16xf32> -> vector<10000x16xf32>
    %get3A_14 = arith.constant 0 : index
    %get3A_15 = arith.constant 0 : index
    %get3A_16 = vector.load %arg3[%get3A_14, %get3A_15] : memref<1x16xf32, #tpu.memory_space<vmem>>, vector<1x16xf32>
    %add3A_17 = vector.broadcast %get3A_16 : vector<1x16xf32> to vector<10000x16xf32>
    %add3A_18 = arith.addf %dot_general3A_13, %add3A_17 : vector<10000x16xf32>
    %get3A_19 = arith.constant 0 : index
    %get3A_20 = arith.constant 0 : index
    %get3A_21 = vector.load %arg1[%get3A_19, %get3A_20] : memref<10000x8xf32, #tpu.memory_space<vmem>>, vector<10000x8xf32>
    %get3A_22 = arith.constant 0 : index
    %get3A_23 = arith.constant 0 : index
    %get3A_24 = vector.load %arg4[%get3A_22, %get3A_23] : memref<8x16xf32, #tpu.memory_space<vmem>>, vector<8x16xf32>
    %convert_element_type3A_25 = arith.truncf %get3A_21 : vector<10000x8xf32> to vector<10000x8xbf16>
    %convert_element_type3A_26 = arith.truncf %get3A_24 : vector<8x16xf32> to vector<8x16xbf16>
    %dot_general3A_27 = arith.constant dense<0.000000e+00> : vector<10000x16xf32>
    %dot_general3A_28 = tpu.matmul %convert_element_type3A_25, %convert_element_type3A_26, %dot_general3A_27 {dimension_numbers = #tpu.dot_dimension_numbers<[1], [0], [0], [1], [0, 0, 1, 1], [], []>, transpose_lhs_hint = false} : vector<10000x8xbf16>, vector<8x16xbf16>, vector<10000x16xf32> -> vector<10000x16xf32>
    %add3A_29 = arith.addf %add3A_18, %dot_general3A_28 : vector<10000x16xf32>
    %max3A = arith.constant 0.000000e+00 : f32
    %max3A_30 = vector.broadcast %max3A : f32 to vector<10000x16xf32>
    %max3A_31 = arith.maximumf %add3A_29, %max3A_30 : vector<10000x16xf32>
    %get3A_32 = arith.constant 0 : index
    %get3A_33 = arith.constant 0 : index
    %get3A_34 = vector.load %arg5[%get3A_32, %get3A_33] : memref<16x32xf32, #tpu.memory_space<vmem>>, vector<16x32xf32>
    %convert_element_type3A_35 = arith.truncf %max3A_31 : vector<10000x16xf32> to vector<10000x16xbf16>
    %convert_element_type3A_36 = arith.truncf %get3A_34 : vector<16x32xf32> to vector<16x32xbf16>
    %dot_general3A_37 = arith.constant dense<0.000000e+00> : vector<10000x32xf32>
    %dot_general3A_38 = tpu.matmul %convert_element_type3A_35, %convert_element_type3A_36, %dot_general3A_37 {dimension_numbers = #tpu.dot_dimension_numbers<[1], [0], [0], [1], [0, 0, 1, 1], [], []>, transpose_lhs_hint = false} : vector<10000x16xbf16>, vector<16x32xbf16>, vector<10000x32xf32> -> vector<10000x32xf32>
    %get3A_39 = arith.constant 0 : index
    %get3A_40 = arith.constant 0 : index
    %get3A_41 = vector.load %arg6[%get3A_39, %get3A_40] : memref<1x32xf32, #tpu.memory_space<vmem>>, vector<1x32xf32>
    %add3A_42 = vector.broadcast %get3A_41 : vector<1x32xf32> to vector<10000x32xf32>
    %add3A_43 = arith.addf %dot_general3A_38, %add3A_42 : vector<10000x32xf32>
    %max3A_44 = arith.constant 0.000000e+00 : f32
    %max3A_45 = vector.broadcast %max3A_44 : f32 to vector<10000x32xf32>
    %max3A_46 = arith.maximumf %add3A_43, %max3A_45 : vector<10000x32xf32>
    %convert_element_type3A_47 = arith.truncf %max3A_46 : vector<10000x32xf32> to vector<10000x32xbf16>
    %convert_element_type3A_48 = arith.extf %convert_element_type3A_47 : vector<10000x32xbf16> to vector<10000x32xf32>
    %get3A_49 = arith.constant 0 : index
    %get3A_50 = arith.constant 0 : index
    %get3A_51 = vector.load %arg7[%get3A_49, %get3A_50] : memref<1x32xf32, #tpu.memory_space<vmem>>, vector<1x32xf32>
    %convert_element_type3A_52 = arith.truncf %get3A_51 : vector<1x32xf32> to vector<1x32xbf16>
    %convert_element_type3A_53 = arith.extf %convert_element_type3A_52 : vector<1x32xbf16> to vector<1x32xf32>
    %mul3A = vector.broadcast %convert_element_type3A_53 : vector<1x32xf32> to vector<10000x32xf32>
    %mul3A_54 = arith.mulf %convert_element_type3A_48, %mul3A : vector<10000x32xf32>
    %reduce_sum3A = arith.constant dense<0.000000e+00> : vector<10000xf32>
    %reduce_sum3A_55 = vector.multi_reduction <add>, %mul3A_54, %reduce_sum3A [1] : vector<10000x32xf32> to vector<10000xf32>
    %broadcast_in_dim3A = vector.shape_cast %reduce_sum3A_55 : vector<10000xf32> to vector<10000x1xf32>
    %get3A_56 = arith.constant 0 : index
    %get3A_57 = arith.constant 0 : index
    %get3A_58 = vector.load %arg8[%get3A_56, %get3A_57] : memref<1x1xf32, #tpu.memory_space<vmem>>, vector<1x1xf32>
    %get3A_59 = vector.extract %get3A_58[0, 0] : f32 from vector<1x1xf32>
    %add3A_60 = vector.broadcast %get3A_59 : f32 to vector<10000x1xf32>
    %add3A_61 = arith.addf %broadcast_in_dim3A, %add3A_60 : vector<10000x1xf32>
    %reduce_sum3A_62 = vector.shape_cast %add3A_61 : vector<10000x1xf32> to vector<1x10000x1xf32>
    %reduce_sum3A_63 = arith.constant dense<0.000000e+00> : vector<1xf32>
    %reduce_sum3A_64 = vector.multi_reduction <add>, %reduce_sum3A_62, %reduce_sum3A_63 [1, 2] : vector<1x10000x1xf32> to vector<1xf32>
    %reduce_sum3A_65 = vector.shape_cast %reduce_sum3A_64 : vector<1xf32> to vector<1x1x1xf32>
    %reduce_sum3A_66 = vector.extract %reduce_sum3A_65[0, 0, 0] : f32 from vector<1x1x1xf32>
    %div3A = arith.constant 1.000000e+04 : f32
    %div3A_67 = arith.divf %reduce_sum3A_66, %div3A : f32
    %sub3A = vector.broadcast %div3A_67 : f32 to vector<10000x1xf32>
    %sub3A_68 = arith.subf %add3A_61, %sub3A : vector<10000x1xf32>
    %swap3A = arith.constant 0 : index
    %swap3A_69 = arith.constant 0 : index
    %swap3A_70 = vector.load %arg9[%swap3A, %swap3A_69] : memref<10000x1xf32, #tpu.memory_space<vmem>>, vector<10000x1xf32>
    tpu.vector_store %arg9[%swap3A, %swap3A_69], %sub3A_68 {strides = array<i32>} : memref<10000x1xf32, #tpu.memory_space<vmem>>, vector<10000x1xf32>,
    return
  }
}

</mosaic_0001>

<sc_bundles>
// kernel: kernel.6.cloned.1.call-start
scs
__scs_entry_jumppad:
0x0: {  	(pc) =	sbr.rel $0x88, $3  }
0x1: {  	(tag) =	ssettag $0x0;
	lr =	simm.s32 $0x1  }
0x2: {  	[smem:$0x3F95] =	sst lr;
	_ =	strace $0xD0000000  }
0x3: {  	_ = 	snop  }
0x4: {  	_ = 	snop  }
0x5: {  	_ = 	snop  }
0x6: {  	_ = 	snop  }
0x7: {  	_ = 	snop  }
__scs_overlays_trampoline_lowered:
0x8: {  	[smem:$0x3FA4] =	sst s0  }
0x9: {  	[smem:$0x3FA5] =	sst s1  }
0xa: {  	[smem:$0x3FA6] =	sst s2  }
0xb: {  	[smem:$0x3FA7] =	sst s3  }
0xc: {  	[smem:$0x3FA8] =	sst s4  }
0xd: {  	[smem:$0x3FA9] =	sst s5  }
0xe: {  	[smem:$0x3FAA] =	sst s6  }
0xf: {  	[smem:$0x3FAB] =	sst s7  }
0x10: {  	[smem:$0x3FAC] =	sst s8  }
0x11: {  	[smem:$0x3FAD] =	sst s9;
	s0 =	simm.s32 @!p0 $0x0  }
0x12: {  	s1 =	sld [smem:$0x3F93];
	s0 =	simm.s32 @p0 $0x1  }
0x13: {  	[smem:$0x3FAE] =	sst s0;
	s0 =	simm.s32 @!p1 $0x0  }
0x14: {  	s2 =	sld [smem:$0x3F92];
	s0 =	simm.s32 @p1 $0x1  }
0x15: {  	[smem:$0x3FAF] =	sst s0;
	s0 =	simm.s32 @!p2 $0x0  }
0x16: {  	s3 =	sld [smem:$0x3FDB];
	s0 =	simm.s32 @p2 $0x1  }
0x17: {  	s4 =	simm.s32 $0x1BF5;
	[smem:$0x3FB1] =	sst s0  }
0x18: {  	s0 =	sld [smem:$0x3F94];
	_ =	swait.ge [sflag:s4], $0x0  }
0x19: {  	s7 =	sld [smem:$0x3F95]  }
0x1a: {  	s8 =	sadd.s32 $0xFFFFE003, lr  }
0x1b: {  	s9 =	sadd.s32 $0xFFFFFEF7, lr;
	s5 =	simm.s32 $0xFFFFFFFF;
	p2 =	slt.u32 s8, $0xFFFFF086  }
0x1c: {  	p1 =	slt.u32 s9, $0xF7A;
	s5 =	simm.s32 @!p2 $0x0  }
0x1d: {  	s5 =	simm.s32 @p1 $0x1;
	p0 =	seq.s32 s7, s2  }
0x1e: {  	s7 =	smul.u32 @!p0 $0xF7A, s2;
	p2 =	seq.s32 @!p0 s5, $0x0  }
0x1f: {  	s9 =	smul.u32 $0xF7A, s1;
	s8 =	simm.s32 @!p0 $0x1BF5;
	p2 =	por !p2, p0  }
0x20: {  	[sflag:s8] =	ssyncset.s32 @!p0 $0xFFFFF086;
	s6 =	sadd.s32 @!p0 s3, s7;
	s7 =	simm.s32 @!p0 $0x108  }
0x21: {  	s3 =	sadd.s32 s3, s9;
	s6 =	sadd.s32 @!p0 $0x88, s6;
	s7 =	simm.s32 @p2 $0x1082  }
0x22: {  	[simem:s7], [sflag:s8] =	dma.local @!p0 [hbm:s6], $0xF7A  }
0x23: {  	s9 =	sor.u32 $0xD0000000, s2;
	s6 =	simm.s32 $0x108;
	_ =	swait.ge @!p0 [sflag:s8], $0x0  }
0x24: {  	s3 =	sadd.s32 $0x88, s3;
	s6 =	simm.s32 @!p1 $0x1082;
	[sflag:s4] =	ssyncset.s32 $0xFFFFF086  }
0x25: {  	[simem:s6], [sflag:s4] =	dma.local [hbm:s3], $0xF7A  }
0x26: {  	[smem:$0x3F95] =	sst s1;
	(tag) =	ssettag s2;
	_ =	strace s9  }
0x27: {  	s1 =	sld [smem:$0x3FA5]  }
0x28: {  	s2 =	sld [smem:$0x3FA6]  }
0x29: {  	s4 =	sld [smem:$0x3FA8]  }
0x2a: {  	p0 =	seq.s32 s5, $0x0;
	s5 =	sld [smem:$0x3FA9]  }
0x2b: {  	s6 =	sld [smem:$0x3FAA]  }
0x2c: {  	s7 =	sld [smem:$0x3FAB]  }
0x2d: {  	s3 =	simm.s32 $0x108;
	s8 =	sld [smem:$0x3FAC]  }
0x2e: {  	s3 =	simm.s32 @!p0 $0x1082;
	s9 =	sld [smem:$0x3FAD]  }
0x2f: {  	lr =	sadd.s32 s0, s3;
	s0 =	sld [smem:$0x3FA4]  }
0x30: {  	s3 =	sld [smem:$0x3FA7]  }
0x31: {  	[smem:$0x3FB0] =	sst s10  }
0x32: {  	s10 =	sld [smem:$0x3FAE];
	_ =	sdelay $0x3  }
0x33: {  	p0 =	seq.s32 s10, $0x1;
	s10 =	sld [smem:$0x3FB0];
	_ =	sdelay $0x3  }
0x34: {  	[smem:$0x3FB0] =	sst s10  }
0x35: {  	s10 =	sld [smem:$0x3FAF];
	_ =	sdelay $0x3  }
0x36: {  	p1 =	seq.s32 s10, $0x1;
	s10 =	sld [smem:$0x3FB0];
	_ =	sdelay $0x3  }
0x37: {  	[smem:$0x3FB0] =	sst s10  }
0x38: {  	s10 =	sld [smem:$0x3FB1]  }
0x39: {  	_ = 	snop;
	(pc) =	sbr.ind lr, $3  }
0x3a: {  	_ = 	snop  }
0x3b: {  	_ = 	snop  }
0x3c: {  	p2 =	seq.s32 s10, $0x1;
	s10 =	sld [smem:$0x3FB0]  }
0x3d: {  	_ =	shalt  }
0x3e: {  	_ =	shalt  }
0x3f: {  	_ =	shalt  }
0x40: {  	_ =	shalt  }
0x41: {  	_ =	shalt  }
0x42: {  	_ =	shalt  }
0x43: {  	_ =	shalt  }
0x44: {  	_ =	shalt  }
0x45: {  	_ =	shalt  }
0x46: {  	_ =	shalt  }
0x47: {  	_ =	shalt  }
0x48: {  	_ =	shalt  }
0x49: {  	_ =	shalt  }
0x4a: {  	_ =	shalt  }
0x4b: {  	_ =	shalt  }
0x4c: {  	_ =	shalt  }
0x4d: {  	_ =	shalt  }
0x4e: {  	_ =	shalt  }
0x4f: {  	_ =	shalt  }
0x50: {  	_ =	shalt  }
0x51: {  	_ =	shalt  }
0x52: {  	_ =	shalt  }
0x53: {  	_ =	shalt  }
0x54: {  	_ =	shalt  }
0x55: {  	_ =	shalt  }
0x56: {  	_ =	shalt  }
0x57: {  	_ =	shalt  }
0x58: {  	_ =	shalt  }
0x59: {  	_ =	shalt  }
0x5a: {  	_ =	shalt  }
0x5b: {  	_ =	shalt  }
0x5c: {  	_ =	shalt  }
0x5d: {  	_ =	shalt  }
0x5e: {  	_ =	shalt  }
0x5f: {  	_ =	shalt  }
0x60: {  	_ =	shalt  }
0x61: {  	_ =	shalt  }
0x62: {  	_ =	shalt  }
0x63: {  	_ =	shalt  }
0x64: {  	_ =	shalt  }
0x65: {  	_ =	shalt  }
0x66: {  	_ =	shalt  }
0x67: {  	_ =	shalt  }
0x68: {  	_ =	shalt  }
0x69: {  	_ =	shalt  }
0x6a: {  	_ =	shalt  }
0x6b: {  	_ =	shalt  }
0x6c: {  	_ =	shalt  }
0x6d: {  	_ =	shalt  }
0x6e: {  	_ =	shalt  }
0x6f: {  	_ =	shalt  }
0x70: {  	_ =	shalt  }
0x71: {  	_ =	shalt  }
0x72: {  	_ =	shalt  }
0x73: {  	_ =	shalt  }
0x74: {  	_ =	shalt  }
0x75: {  	_ =	shalt  }
0x76: {  	_ =	shalt  }
0x77: {  	_ =	shalt  }
0x78: {  	_ =	shalt  }
0x79: {  	_ =	shalt  }
0x7a: {  	_ =	shalt  }
0x7b: {  	_ =	shalt  }
0x7c: {  	_ =	shalt  }
0x7d: {  	_ =	shalt  }
0x7e: {  	_ =	shalt  }
0x7f: {  	_ =	shalt  }
0x80: {  	_ =	shalt  }
0x81: {  	_ =	shalt  }
0x82: {  	_ =	shalt  }
0x83: {  	_ =	shalt  }
0x84: {  	_ =	shalt  }
0x85: {  	_ =	shalt  }
0x86: {  	_ =	shalt  }
0x87: {  	_ =	shalt  }
.Lfunc_end0:
.L_simem_size_0:
called_computation_lowered:
.L_overlay_start_0:
0x88: {  	s2 =	sld [smem:$0x3FD9]  }
0x89: {  	s3 =	sld [smem:$0x3FFE];
	_ =	sdelay $0x1  }
0x8a: {  	s1 =	srdreg.scid  }
0x8b: {  	s0 =	sand.u32 $0x1, s1  }
0x8c: {  	s16 =	sshll.u32 s0, $0xA;
	s2 =	sadd.s32 s3, s2  }
0x8d: {  	s2 =	sadd.s32 s2, s16  }
0x8e: {  	[smem:$0x3FBC] =	sst s2  }
0x8f: {  	_ = 	snop  }
0x90: {  	(tm) =	ssettm $0x1  }
0x91: {  	s17 =	sld [smem:$0x3FFB];
	_ =	sdelay $0x3  }
0x92: {  	_ =	strace s17  }
0x93: {  	s2 =	sld [smem:$0x3FFC];
	_ =	sdelay $0x3  }
0x94: {  	_ =	strace s2  }
0x95: {  	s2 =	sld [smem:$0x3FFD];
	_ =	sdelay $0x3  }
0x96: {  	_ =	strace s2  }
0x97: {  	_ =	strace $0x8FFFFFFF  }
0x98: {  	s18 =	sld [smem:$0x3FDB];
	_ =	sdelay $0x1  }
0x99: {  	s19 =	simm.s32 $_scs_section_size  }
0x9a: {  	s4 =	simm.s32 $_size__tile_overlayer_lowered;
	s5 =	simm.s32 $_tile_overlayer_lowered  }
0x9b: {  	s22 =	simm.s32 $0x1BFF;
	s21 =	sshll.u32 s5, $0x1;
	s2 =	sadd.s32 s19, s18  }
0x9c: {  	s6 =	simm.s32 $0x0;
	s20 =	sshll.u32 s4, $0x1;
	s4 =	sadd.s32 s21, s2  }
0x9d: {  	[timem:s6], [sflag:s22] =	dma.local [hbm:s4], s20  }
0x9e: {  	_ =	swait.ge [sflag:s22], s20  }
0x9f: {  	s3 =	ssub.s32 $0x0, s20;
	[sflag:s22] =	ssyncset.done $0x0  }
0xa0: {  	[sflag:s22] =	ssyncadd.s32 s3;
	_ =	sdelay $0x1  }
0xa1: {  	s23 =	simm.s32 $0x1B8B  }
0xa2: {  	_ =	swait.ge [sflag:s23], $0x1  }
0xa3: {  	[sflag:s23] =	ssyncset.done $0x0  }
0xa4: {  	s25 =	simm.s32 $0x1B8E;
	s24 =	sld [smem:$0x3FFE];
	[sflag:s23] =	ssyncadd.s32 $0xFFFFFFFF  }
0xa5: {  	s26 =	simm.s32 $execute0_lowered;
	[smem:$0x3FD2] =	sst s25  }
0xa6: {  	s4 =	sshll.u32 s26, $0x1;
	_ =	strace $0x80000046;
	[dreg:$0x1] =	wrdreg $0xFFFFFFFF  }
0xa7: {  	s28 =	simm.s32 $_size_execute0_lowered;
	s2 =	sadd.s32 s2, s4;
	[dreg:$0x0] =	wrdreg $0x0  }
0xa8: {  	s4 =	sshll.u32 s28, $0x1;
	[dreg:$0x2] =	wrdreg s2  }
0xa9: {  	[dreg:$0x3] =	wrdreg s4  }
0xaa: {  	[dreg:$0x4] =	wrdreg $0xC0  }
0xab: {  	_ =	task [dreg:s6], $0x5FFFF  }
0xac: {  	[dreg:$0x1] =	wrdreg $0xFFFFFFFF  }
0xad: {  	[dreg:$0x0] =	wrdreg $0x60  }
0xae: {  	[dreg:$0x2] =	wrdreg s24  }
0xaf: {  	[dreg:$0x3] =	wrdreg $0x15E000  }
0xb0: {  	[dreg:$0x4] =	wrdreg $0x9  }
0xb1: {  	_ =	task.clear_ibuf [dreg:s6], $0x5FFFF;
	_ =	strace $0x90000046  }
0xb2: {  	s29 =	simm.s32 $0x9;
	_ =	strace $0x80000048  }
0xb3: {  	_ =	swait.ge [sflag:s29], $0x1  }
0xb4: {  	[sflag:s29] =	ssyncadd.s32 $0xFFFFFFFF  }
0xb5: {  	_ =	strace $0x90000048  }
0xb6: {  	_ =	sfence  }
0xb7: {  	s30 =	sld [smem:$0x0];
	_ =	sdelay $0x2  }
0xb8: {  	s31 =	sshll.u32 s1, $0xD;
	s1 =	sshrl.u32 s1, $0x2  }
0xb9: {  	s3 =	sand.u32 $0x4000, s31;
	s1 =	sadd.s32 s1, s30  }
0xba: {  	s0 =	sor.u32 s3, s0;
	s1 =	sshll.u32 s1, $0x11  }
0xbb: {  	s0 =	sor.u32 s1, s0  }
0xbc: {  	s0 =	sadd.s32 $0x8F2B, s0  }
0xbd: {  	[sflag:s0] =	ssyncadd.remote.s32 $0x1  }
0xbe: {  	_ =	sfence.sel $0xFFFF  }
0xbf: {  	[dreg:$0x0] =	wrdreg $0xFFFFFFFF;
	(pc) =	sbr.abs _section_cstart, $3  }
0xc0: {  	[dreg:$0x1] =	wrdreg $0xFFFFFFFF  }
0xc1: {  	_ =	task.clear_ibuf [dreg:s6], $0x2FFFF;
	_ =	strace $0x9FFFFFFF  }
0xc2: {  	(tm) =	ssettm $0x7FFFFFFF  }
0xc3: {  	_ =	shalt  }
tec
execute0_lowered:
.L_overlay_start_1:
0x0: {  	(tag) =	ssettag $0x1  }
0x1: {  	s0 =	rddreg [dreg:$0x0]  }
0x2: {  	s2 =	rddreg [dreg:$0x1];
	s12 =	stileid.u32  }
0x3: {  	s3 =	simm.s32 $0x0;
	s4 =	srdreg.scid;
	s13 =	simm.s32 $0xD  }
0x4: {  	s15 =	simm.s32 $0x80;
	s24 =	simm.s32 $0x9;
	s28 =	simm.s32 $0xC  }
0x5: {  	s29 =	simm.s32 $0x7;
	s30 =	simm.s32 $0x8;
	s1 =	smul.u32 $0x9E0, s12  }
0x6: {  	s31 =	simm.s32 $0x0;
	[smem:$0x7FF] =	sst s3;
	s6 =	smul.u32 $0x9E00, s12  }
0x7: {  	s10 =	sand.u32 $0x1, s4;
	s4 =	sadd.s32 $0x15000, s0;
	s5 =	sadd.s32 $0x1600, s0  }
0x8: {  	s25 =	sshll.u32 s12, $0x6;
	_ =	strace $0x80000047;
	s7 =	smul.u32 $0x9E000, s10  }
0x9: {  	s9 =	ssub.s32 $0x2, s10;
	p0 =	seq.s32 s10, $0x1;
	s1 =	sadd.s32 s1, s0  }
0xa: {  	s8 =	sshrl.u32 s6, $0x3;
	s11 =	sshrl.u32 s9, $0x1;
	s26 =	sadd.s32 s6, s2  }
.Ltmp0:
0xb: {  	s7 =	sadd.s32 s6, s7;
	s8 =	sadd.s32 s8, s0;
	(pc) =	sbr.rel .LBB2_1-.Ltmp0, $4  }
0xc: {  	s11 =	ssub.s32 s9, s11;
	s9 =	sadd.s32 $0x28A00, s1;
	s12 =	sshrl.u32 s26, $0x3  }
0xd: {  	s26 =	simm.s32 $0xB;
	s7 =	sshrl.u32 s7, $0x3;
	s6 =	sadd.s32 $0x3C600, s8  }
0xe: {  	s8 =	sadd.s32 $0x32800, s1;
	s11 =	smax.u32 s11, $0x1;
	s0 =	sadd.s32 s7, s0  }
0xf: {  	s7 =	sor.u32 $0x1C0D, s25;
	s25 =	simm.s32 $0xA;
	s10 =	sadd.s32 $0x50200, s0  }
.LBB2_7:
0x10: {  	[sflag:s17] =	ssyncadd.s32 @!p2 $0xFFFFE000  }
0x11: {  	[tilespmem:s19], [sflag:s18] =	stream.indirect.gather @!p1 [hbm4b:s5+s20], $0x40, s16, s20, $0xb8;
	[tilespmem:$0x1FC00] =	vst v63  }
.LBB2_8:
0x12: {  	_ =	swait.ge [sflag:s24], $0x2000  }
0x13: {  	[sflag:s24] =	ssyncset.done $0x0  }
0x14: {  	[sflag:s24] =	ssyncadd.s32 $0xFFFFE000  }
0x15: {  	_ =	swait.ge [sflag:s25], $0x2000  }
0x16: {  	[sflag:s25] =	ssyncset.done $0x0  }
0x17: {  	[sflag:s25] =	ssyncadd.s32 $0xFFFFE000  }
0x18: {  	_ =	swait.ge [sflag:s26], $0x2000  }
0x19: {  	[sflag:s26] =	ssyncset.done $0x0  }
0x1a: {  	[sflag:s26] =	ssyncadd.s32 $0xFFFFE000  }
0x1b: {  	_ =	swait.ge [sflag:s28], $0x2000  }
0x1c: {  	[sflag:s28] =	ssyncset.done $0x0  }
0x1d: {  	[sflag:s28] =	ssyncadd.s32 $0xFFFFE000  }
0x1e: {  	_ =	swait.ge [sflag:s29], $0x2000  }
0x1f: {  	[sflag:s29] =	ssyncset.done $0x0  }
0x20: {  	[sflag:s29] =	ssyncadd.s32 $0xFFFFE000  }
0x21: {  	_ =	swait.ge [sflag:s30], $0x2000  }
0x22: {  	s31 =	sadd.s32 $0x1, s31;
	[sflag:s30] =	ssyncset.done $0x0  }
0x23: {  	p1 =	sne.s32 s31, s11;
	[sflag:s30] =	ssyncadd.s32 $0xFFFFE000  }
.Ltmp1:
0x24: {  	[bflag:$0x0] =	sbarrier.arrive $0xFFFF;
	(pc) =	sbr.rel @!p1 .LBB2_9-.Ltmp1, $4  }
0x25: {  	[hbm:s10], [sflag:s7] =	dma.local [spmem:s12], $0x13C0  }
0x26: {  	_ =	swait.ge [sflag:s13], $0x13C0  }
0x27: {  	[sflag:s13] =	ssyncset.done $0x0  }
0x28: {  	[sflag:s13] =	ssyncadd.s32 $0xFFFFEC40  }
.LBB2_1:
0x29: {  	[spmem:s12], [sflag:s7] =	dma.local [hbm:s6], $0x13C0  }
0x2a: {  	_ =	swait.ge [sflag:s13], $0x13C0  }
0x2b: {  	[sflag:s13] =	ssyncset.done $0x0  }
0x2c: {  	[sflag:s13] =	ssyncadd.s32 $0xFFFFEC40  }
0x2d: {  	[tilespmem:s3], [sflag:$0xD] =	stream.linear.gather [hbm4b:s8+s3], $0x4F00, $0x38;
	[tilespmem:$0x1FC00] =	vst v63  }
0x2e: {  	_ =	swait.ge [sflag:s13], $0x4F00  }
0x2f: {  	[sflag:s13] =	ssyncset.done $0x0  }
0x30: {  	s0 =	simm.s32 $0x4F00;
	[sflag:s13] =	ssyncadd.s32 $0xFFFFB100  }
0x31: {  	[tilespmem:s0], [sflag:$0xD] =	stream.linear.gather [hbm4b:s9+s3], $0x4F00, $0x38;
	[tilespmem:$0x1FC00] =	vst v63  }
.Ltmp2:
0x32: {  	_ =	swait.ge [sflag:s13], $0x4F00;
	(pc) =	sbr.rel @!p0 .LBB2_2-.Ltmp2, $4  }
0x33: {  	[sflag:s13] =	ssyncset.done $0x0  }
0x34: {  	[sflag:s13] =	ssyncadd.s32 $0xFFFFB100  }
0x35: {  	[bflag:$0x0] =	sbarrier.arrive $0xFFFF  }
0x36: {  	s1 =	simm.s32 $0x9E00;
	s0 =	simm.s32 $0x0  }
0x37: {  	[tilespmem:s1], [sflag:$0x1] =	stream.indirect.gather [hbm4b:s5+s15], $0x40, s0, s15, $0xb8;
	[tilespmem:$0x1FC00] =	vst v63  }
0x38: {  	s16 =	simm.s32 $0xBE00  }
0x39: {  	s17 =	simm.s32 $0x100;
	s14 =	simm.s32 $0xDE00;
	s18 =	simm.s32 $0x180  }
0x3a: {  	s22 =	smul.u32 $0xAB, s0;
	p1 =	por $0x0, $0x0;
	s1 =	simm.s32 $0x5  }
0x3b: {  	s19 =	simm.s32 $0xFE00;
	s20 =	simm.s32 $0x200;
	s1 =	smul.u32 @!p1 $0xAB, s1  }
0x3c: {  	[tilespmem:s16], [sflag:$0x2] =	stream.indirect.gather [hbm4b:s5+s15], $0x40, s15, s15, $0xb8;
	[tilespmem:$0x1FC00] =	vst v63  }
0x3d: {  	s21 =	simm.s32 $0x11E00;
	p2 =	por @!p1 $0x1, $0x1;
	s0 =	sshrl.u32 s22, $0xA  }
0x3e: {  	p2 =	por p2, p1;
	s0 =	sand.u32 $0x3F, s0;
	s1 =	sshrl.u32 @!p1 s1, $0xA  }
0x3f: {  	[tilespmem:s14], [sflag:$0x3] =	stream.indirect.gather [hbm4b:s5+s15], $0x40, s17, s15, $0xb8;
	[tilespmem:$0x1FC00] =	vst v63  }
0x40: {  	s14 =	simm.s32 @!p2 $0xFFFFFFFF;
	s16 =	smul.u32 $0x6, s0;
	s17 =	simm.s32 $0x4F00  }
0x41: {  	[tilespmem:s19], [sflag:$0x4] =	stream.indirect.gather [hbm4b:s5+s15], $0x40, s18, s15, $0xb8;
	[tilespmem:$0x1FC00] =	vst v63  }
0x42: {  	s1 =	sand.u32 @!p1 $0x3F, s1;
	s0 =	sand.u32 @!p2 $0xFF, s14;
	s16 =	ssub.s32 $0x0, s16  }
0x43: {  	s14 =	smul.u32 @!p2 $0xAB, s0;
	s0 =	simm.s32 $0x280;
	s16 =	sand.u32 $0xFF, s16  }
0x44: {  	[tilespmem:s21], [sflag:$0x5] =	stream.indirect.gather [hbm4b:s5+s15], $0x40, s20, s15, $0xb8;
	[tilespmem:$0x1FC00] =	vst v63  }
0x45: {  	s19 =	smul.u32 @!p1 $0x6, s1;
	s14 =	sshrl.u32 @!p2 s14, $0xA;
	s18 =	sadd.s32 $0x1, s16  }
0x46: {  	s23 =	sshll.u32 s16, $0xD;
	s14 =	smul.u32 @!p2 $0x6, s14;
	_ =	swait.ge [sflag:s18], $0x2000  }
0x47: {  	s16 =	sadd.s32 $0x7, s16;
	s20 =	simm.s32 @!p1 $0x80;
	[sflag:s18] =	ssyncset.done $0x0  }
0x48: {  	s1 =	sadd.s32 $0x9E00, s23;
	s14 =	ssub.s32 @!p2 $0xFFFFFFFF, s14;
	[sflag:s18] =	ssyncadd.s32 $0xFFFFE000  }
0x49: {  	[spmem:s2] =	stream.indirect.scatter.add.f32 [tilespmem:s1], [sflag:s16], $0x40, s17, s15, $0xb8;
	[tilespmem:$0x1FC00] =	vst v63  }
0x4a: {  	s14 =	sand.u32 @!p2 $0xFF, s14;
	s1 =	simm.s32 $0x1;
	s16 =	ssub.s32 @!p1 $0x5, s19  }
0x4b: {  	s17 =	sadd.s32 @!p2 $0x7, s14;
	s16 =	sand.u32 @!p1 $0xFF, s16;
	s14 =	simm.s32 $0x4F80  }
0x4c: {  	_ =	swait.ge @!p2 [sflag:s17], $0x2000;
	s19 =	sshll.u32 @!p1 s16, $0xD;
	s18 =	sadd.s32 @!p1 $0x1, s16  }
0x4d: {  	s16 =	simm.s32 $0x280;
	[sflag:s17] =	ssyncset.done @!p2 $0x0;
	s19 =	sadd.s32 @!p1 $0x9E00, s19  }
.LBB2_6:
0x4e: {  	[sflag:s17] =	ssyncadd.s32 @!p2 $0xFFFFE000  }
0x4f: {  	s0 =	sadd.s32 $0x80, s0;
	s17 =	smov.u32 s1;
	s1 =	sadd.s32 $0x1, s1  }
0x50: {  	[tilespmem:s19], [sflag:s18] =	stream.indirect.gather @!p1 [hbm4b:s5+s20], $0x40, s16, s20, $0xb8;
	[tilespmem:$0x1FC00] =	vst v63  }
0x51: {  	s16 =	smul.u32 $0xAB, s17;
	s18 =	sadd.s32 $0x5, s17;
	p1 =	sgt.u32 s17, $0x98  }
0x52: {  	p3 =	sne.s32 s1, $0x9E;
	p2 =	seq.s32 @!p1 s17, $0x0;
	s19 =	smul.u32 @!p1 $0xAB, s18  }
0x53: {  	s20 =	sshrl.u32 s16, $0xA;
	p2 =	por p2, p1;
	s16 =	smov.u32 s0  }
0x54: {  	s20 =	sand.u32 $0x3F, s20;
	s21 =	sadd.s32 @!p2 $0xFFFFFFFF, s17;
	s19 =	sshrl.u32 @!p1 s19, $0xA  }
0x55: {  	s20 =	smul.u32 $0x6, s20;
	s22 =	sand.u32 @!p2 $0xFF, s21;
	s19 =	sand.u32 @!p1 $0x3F, s19  }
0x56: {  	s22 =	smul.u32 @!p2 $0xAB, s22  }
0x57: {  	s19 =	smul.u32 @!p1 $0x6, s19;
	s17 =	ssub.s32 s17, s20  }
0x58: {  	s17 =	sand.u32 $0xFF, s17;
	s20 =	sshrl.u32 @!p2 s22, $0xA  }
0x59: {  	s22 =	sshll.u32 s17, $0xD;
	s23 =	sadd.s32 $0x1, s17;
	s20 =	smul.u32 @!p2 $0x6, s20  }
0x5a: {  	s18 =	ssub.s32 @!p1 s18, s19;
	s17 =	sadd.s32 $0x7, s17;
	_ =	swait.ge [sflag:s23], $0x2000  }
0x5b: {  	s19 =	ssub.s32 @!p2 s21, s20;
	s20 =	sadd.s32 $0x9E00, s22;
	[sflag:s23] =	ssyncset.done $0x0  }
.Ltmp3:
0x5c: {  	s19 =	sand.u32 @!p2 $0xFF, s19;
	[sflag:s23] =	ssyncadd.s32 $0xFFFFE000;
	(pc) =	sbr.rel @p3 .LBB2_6-.Ltmp3, $4  }
0x5d: {  	[spmem:s2] =	stream.indirect.scatter.add.f32 [tilespmem:s20], [sflag:s17], $0x40, s14, s15, $0xb8;
	[tilespmem:$0x1FC00] =	vst v63  }
0x5e: {  	s18 =	sand.u32 @!p1 $0xFF, s18;
	s17 =	sadd.s32 @!p2 $0x7, s19;
	s14 =	sadd.s32 $0x80, s14  }
0x5f: {  	s19 =	sshll.u32 @!p1 s18, $0xD;
	s18 =	sadd.s32 @!p1 $0x1, s18;
	_ =	swait.ge @!p2 [sflag:s17], $0x2000  }
0x60: {  	s20 =	simm.s32 @!p1 $0x80;
	s19 =	sadd.s32 @!p1 $0x9E00, s19;
	[sflag:s17] =	ssyncset.done @!p2 $0x0  }
.Ltmp4:
0x61: {  	_ = 	snop;
	(pc) =	sbr.rel .LBB2_7-.Ltmp4, $1  }
0x62: {  	_ =	sdelay $0x3  }
.LBB2_2:
0x63: {  	[tilespmem:s1], [sflag:$0x1] =	stream.indirect.gather [hbm4b:s4+s15], $0x40, s0, s15, $0xb8;
	[tilespmem:$0x1FC00] =	vst v63  }
0x64: {  	s16 =	simm.s32 $0xBE00  }
0x65: {  	s17 =	simm.s32 $0x100;
	s14 =	simm.s32 $0xDE00;
	s18 =	simm.s32 $0x180  }
0x66: {  	s22 =	smul.u32 $0xAB, s0;
	p1 =	por $0x0, $0x0;
	s1 =	simm.s32 $0x5  }
0x67: {  	s19 =	simm.s32 $0xFE00;
	s20 =	simm.s32 $0x200;
	s1 =	smul.u32 @!p1 $0xAB, s1  }
0x68: {  	[tilespmem:s16], [sflag:$0x2] =	stream.indirect.gather [hbm4b:s4+s15], $0x40, s15, s15, $0xb8;
	[tilespmem:$0x1FC00] =	vst v63  }
0x69: {  	s21 =	simm.s32 $0x11E00;
	p2 =	por @!p1 $0x1, $0x1;
	s0 =	sshrl.u32 s22, $0xA  }
0x6a: {  	p2 =	por p2, p1;
	s0 =	sand.u32 $0x3F, s0;
	s1 =	sshrl.u32 @!p1 s1, $0xA  }
0x6b: {  	[tilespmem:s14], [sflag:$0x3] =	stream.indirect.gather [hbm4b:s4+s15], $0x40, s17, s15, $0xb8;
	[tilespmem:$0x1FC00] =	vst v63  }
0x6c: {  	s14 =	simm.s32 @!p2 $0xFFFFFFFF;
	s16 =	smul.u32 $0x6, s0;
	s17 =	simm.s32 $0x4F00  }
0x6d: {  	[tilespmem:s19], [sflag:$0x4] =	stream.indirect.gather [hbm4b:s4+s15], $0x40, s18, s15, $0xb8;
	[tilespmem:$0x1FC00] =	vst v63  }
0x6e: {  	s1 =	sand.u32 @!p1 $0x3F, s1;
	s0 =	sand.u32 @!p2 $0xFF, s14;
	s16 =	ssub.s32 $0x0, s16  }
0x6f: {  	s14 =	smul.u32 @!p2 $0xAB, s0;
	s0 =	simm.s32 $0x280;
	s16 =	sand.u32 $0xFF, s16  }
0x70: {  	[tilespmem:s21], [sflag:$0x5] =	stream.indirect.gather [hbm4b:s4+s15], $0x40, s20, s15, $0xb8;
	[tilespmem:$0x1FC00] =	vst v63  }
0x71: {  	s19 =	smul.u32 @!p1 $0x6, s1;
	s14 =	sshrl.u32 @!p2 s14, $0xA;
	s18 =	sadd.s32 $0x1, s16  }
0x72: {  	s23 =	sshll.u32 s16, $0xD;
	s14 =	smul.u32 @!p2 $0x6, s14;
	_ =	swait.ge [sflag:s18], $0x2000  }
0x73: {  	s16 =	sadd.s32 $0x7, s16;
	s20 =	simm.s32 @!p1 $0x80;
	[sflag:s18] =	ssyncset.done $0x0  }
0x74: {  	s1 =	sadd.s32 $0x9E00, s23;
	s14 =	ssub.s32 @!p2 $0xFFFFFFFF, s14;
	[sflag:s18] =	ssyncadd.s32 $0xFFFFE000  }
0x75: {  	[spmem:s2] =	stream.indirect.scatter.add.f32 [tilespmem:s1], [sflag:s16], $0x40, s17, s15, $0xb8;
	[tilespmem:$0x1FC00] =	vst v63  }
0x76: {  	s14 =	sand.u32 @!p2 $0xFF, s14;
	s1 =	simm.s32 $0x1;
	s16 =	ssub.s32 @!p1 $0x5, s19  }
0x77: {  	s17 =	sadd.s32 @!p2 $0x7, s14;
	s16 =	sand.u32 @!p1 $0xFF, s16;
	s14 =	simm.s32 $0x4F80  }
0x78: {  	_ =	swait.ge @!p2 [sflag:s17], $0x2000;
	s19 =	sshll.u32 @!p1 s16, $0xD;
	s18 =	sadd.s32 @!p1 $0x1, s16  }
0x79: {  	s16 =	simm.s32 $0x280;
	[sflag:s17] =	ssyncset.done @!p2 $0x0;
	s19 =	sadd.s32 @!p1 $0x9E00, s19  }
.LBB2_3:
0x7a: {  	[sflag:s17] =	ssyncadd.s32 @!p2 $0xFFFFE000  }
0x7b: {  	s0 =	sadd.s32 $0x80, s0;
	s17 =	smov.u32 s1;
	s1 =	sadd.s32 $0x1, s1  }
0x7c: {  	[tilespmem:s19], [sflag:s18] =	stream.indirect.gather @!p1 [hbm4b:s4+s20], $0x40, s16, s20, $0xb8;
	[tilespmem:$0x1FC00] =	vst v63  }
0x7d: {  	s16 =	smul.u32 $0xAB, s17;
	s18 =	sadd.s32 $0x5, s17;
	p1 =	sgt.u32 s17, $0x98  }
0x7e: {  	p3 =	seq.s32 s1, $0x9E;
	p2 =	seq.s32 @!p1 s17, $0x0;
	s19 =	smul.u32 @!p1 $0xAB, s18  }
0x7f: {  	s20 =	sshrl.u32 s16, $0xA;
	p2 =	por p2, p1;
	s16 =	smov.u32 s0  }
0x80: {  	s20 =	sand.u32 $0x3F, s20;
	s21 =	sadd.s32 @!p2 $0xFFFFFFFF, s17;
	s19 =	sshrl.u32 @!p1 s19, $0xA  }
0x81: {  	s20 =	smul.u32 $0x6, s20;
	s22 =	sand.u32 @!p2 $0xFF, s21;
	s19 =	sand.u32 @!p1 $0x3F, s19  }
0x82: {  	s22 =	smul.u32 @!p2 $0xAB, s22  }
0x83: {  	s19 =	smul.u32 @!p1 $0x6, s19;
	s17 =	ssub.s32 s17, s20  }
0x84: {  	s17 =	sand.u32 $0xFF, s17;
	s20 =	sshrl.u32 @!p2 s22, $0xA  }
0x85: {  	s22 =	sshll.u32 s17, $0xD;
	s23 =	sadd.s32 $0x1, s17;
	s20 =	smul.u32 @!p2 $0x6, s20  }
0x86: {  	s18 =	ssub.s32 @!p1 s18, s19;
	s17 =	sadd.s32 $0x7, s17;
	_ =	swait.ge [sflag:s23], $0x2000  }
0x87: {  	s19 =	ssub.s32 @!p2 s21, s20;
	s20 =	sadd.s32 $0x9E00, s22;
	[sflag:s23] =	ssyncset.done $0x0  }
.Ltmp5:
0x88: {  	s19 =	sand.u32 @!p2 $0xFF, s19;
	[sflag:s23] =	ssyncadd.s32 $0xFFFFE000;
	(pc) =	sbr.rel @!p3 .LBB2_3-.Ltmp5, $4  }
0x89: {  	[spmem:s2] =	stream.indirect.scatter.add.f32 [tilespmem:s20], [sflag:s17], $0x40, s14, s15, $0xb8;
	[tilespmem:$0x1FC00] =	vst v63  }
0x8a: {  	s18 =	sand.u32 @!p1 $0xFF, s18;
	s17 =	sadd.s32 @!p2 $0x7, s19;
	s14 =	sadd.s32 $0x80, s14  }
0x8b: {  	s19 =	sshll.u32 @!p1 s18, $0xD;
	s18 =	sadd.s32 @!p1 $0x1, s18;
	_ =	swait.ge @!p2 [sflag:s17], $0x2000  }
0x8c: {  	s20 =	simm.s32 @!p1 $0x80;
	s19 =	sadd.s32 @!p1 $0x9E00, s19;
	[sflag:s17] =	ssyncset.done @!p2 $0x0  }
.Ltmp6:
0x8d: {  	(pc) =	sbr.rel .LBB2_8-.Ltmp6, $3  }
0x8e: {  	_ =	sdelay $0x1  }
0x8f: {  	[sflag:s17] =	ssyncadd.s32 @!p2 $0xFFFFE000  }
0x90: {  	[tilespmem:s19], [sflag:s18] =	stream.indirect.gather @!p1 [hbm4b:s4+s20], $0x40, s16, s20, $0xb8;
	[tilespmem:$0x1FC00] =	vst v63  }
.LBB2_9:
0x91: {  	_ =	sfence.sel $0x180000  }
0x92: {  	[bflag:$0x0] =	sbarrier.arrive $0xFFFF  }
0x93: {  	_ =	strace $0x90000047  }
0x94: {  	s0 =	stileid.u32;
	[bflag:$0x2] =	sbarrier.arrive $0xFFFF  }
0x95: {  	p0 =	sne.s32 s0, $0x0;
	s0 =	rddreg [dreg:$0x2]  }
0x96: {  	s0 =	sadd.s32 @!p0 $0x100000, s0  }
0x97: {  	[sflag:s0] =	ssyncadd.tile.s32 @!p0 $0x1;
	_ =	shalt  }
.Lfunc_end2:
_tile_overlayer_lowered:
.L_overlay_start_2:
0x98: {  	(tag) =	ssettag $0x2  }
0x99: {  	s0 =	rddreg [dreg:$0x0];
	s2 =	stileid.u32  }
0x9a: {  	s1 =	rddreg [dreg:$0x1];
	p0 =	sne.s32 s2, $0x0  }
0x9b: {  	s3 =	rddreg [dreg:$0x2];
	[bflag:$0x3] =	sbarrier.arrive $0xFFFF;
	s2 =	simm.s32 @!p0 $0x1C0D  }
0x9c: {  	[timem:s3], [sflag:s2] =	dma.local @!p0 [hbm:s0], s1  }
0x9d: {  	s0 =	simm.s32 @!p0 $0xD  }
0x9e: {  	_ =	swait.ge @!p0 [sflag:s0], s1  }
0x9f: {  	s1 =	ssub.s32 @!p0 $0x0, s1;
	[sflag:s0] =	ssyncset.done @!p0 $0x0  }
0xa0: {  	[sflag:s0] =	ssyncadd.s32 @!p0 s1  }
0xa1: {  	[bflag:$0x3] =	sbarrier.arrive $0xFFFF  }
0xa2: {  	_ =	shalt  }

// kernel: kernel.9.cloned.1.call-start
scs
__scs_entry_jumppad:
0x0: {  	(pc) =	sbr.rel $0x88, $3  }
0x1: {  	(tag) =	ssettag $0x0;
	lr =	simm.s32 $0x1  }
0x2: {  	[smem:$0x3F95] =	sst lr;
	_ =	strace $0xD0000000  }
0x3: {  	_ = 	snop  }
0x4: {  	_ = 	snop  }
0x5: {  	_ = 	snop  }
0x6: {  	_ = 	snop  }
0x7: {  	_ = 	snop  }
__scs_overlays_trampoline_lowered:
0x8: {  	[smem:$0x3FA4] =	sst s0  }
0x9: {  	[smem:$0x3FA5] =	sst s1  }
0xa: {  	[smem:$0x3FA6] =	sst s2  }
0xb: {  	[smem:$0x3FA7] =	sst s3  }
0xc: {  	[smem:$0x3FA8] =	sst s4  }
0xd: {  	[smem:$0x3FA9] =	sst s5  }
0xe: {  	[smem:$0x3FAA] =	sst s6  }
0xf: {  	[smem:$0x3FAB] =	sst s7  }
0x10: {  	[smem:$0x3FAC] =	sst s8  }
0x11: {  	[smem:$0x3FAD] =	sst s9;
	s0 =	simm.s32 @!p0 $0x0  }
0x12: {  	s1 =	sld [smem:$0x3F93];
	s0 =	simm.s32 @p0 $0x1  }
0x13: {  	[smem:$0x3FAE] =	sst s0;
	s0 =	simm.s32 @!p1 $0x0  }
0x14: {  	s2 =	sld [smem:$0x3F92];
	s0 =	simm.s32 @p1 $0x1  }
0x15: {  	[smem:$0x3FAF] =	sst s0;
	s0 =	simm.s32 @!p2 $0x0  }
0x16: {  	s3 =	sld [smem:$0x3FDB];
	s0 =	simm.s32 @p2 $0x1  }
0x17: {  	s4 =	simm.s32 $0x1BF5;
	[smem:$0x3FB1] =	sst s0  }
0x18: {  	s0 =	sld [smem:$0x3F94];
	_ =	swait.ge [sflag:s4], $0x0  }
0x19: {  	s7 =	sld [smem:$0x3F95]  }
0x1a: {  	s8 =	sadd.s32 $0xFFFFE003, lr  }
0x1b: {  	s9 =	sadd.s32 $0xFFFFFEF7, lr;
	s5 =	simm.s32 $0xFFFFFFFF;
	p2 =	slt.u32 s8, $0xFFFFF086  }
0x1c: {  	p1 =	slt.u32 s9, $0xF7A;
	s5 =	simm.s32 @!p2 $0x0  }
0x1d: {  	s5 =	simm.s32 @p1 $0x1;
	p0 =	seq.s32 s7, s2  }
0x1e: {  	s7 =	smul.u32 @!p0 $0xF7A, s2;
	p2 =	seq.s32 @!p0 s5, $0x0  }
0x1f: {  	s9 =	smul.u32 $0xF7A, s1;
	s8 =	simm.s32 @!p0 $0x1BF5;
	p2 =	por !p2, p0  }
0x20: {  	[sflag:s8] =	ssyncset.s32 @!p0 $0xFFFFF086;
	s6 =	sadd.s32 @!p0 s3, s7;
	s7 =	simm.s32 @!p0 $0x108  }
0x21: {  	s3 =	sadd.s32 s3, s9;
	s6 =	sadd.s32 @!p0 $0x88, s6;
	s7 =	simm.s32 @p2 $0x1082  }
0x22: {  	[simem:s7], [sflag:s8] =	dma.local @!p0 [hbm:s6], $0xF7A  }
0x23: {  	s9 =	sor.u32 $0xD0000000, s2;
	s6 =	simm.s32 $0x108;
	_ =	swait.ge @!p0 [sflag:s8], $0x0  }
0x24: {  	s3 =	sadd.s32 $0x88, s3;
	s6 =	simm.s32 @!p1 $0x1082;
	[sflag:s4] =	ssyncset.s32 $0xFFFFF086  }
0x25: {  	[simem:s6], [sflag:s4] =	dma.local [hbm:s3], $0xF7A  }
0x26: {  	[smem:$0x3F95] =	sst s1;
	(tag) =	ssettag s2;
	_ =	strace s9  }
0x27: {  	s1 =	sld [smem:$0x3FA5]  }
0x28: {  	s2 =	sld [smem:$0x3FA6]  }
0x29: {  	s4 =	sld [smem:$0x3FA8]  }
0x2a: {  	p0 =	seq.s32 s5, $0x0;
	s5 =	sld [smem:$0x3FA9]  }
0x2b: {  	s6 =	sld [smem:$0x3FAA]  }
0x2c: {  	s7 =	sld [smem:$0x3FAB]  }
0x2d: {  	s3 =	simm.s32 $0x108;
	s8 =	sld [smem:$0x3FAC]  }
0x2e: {  	s3 =	simm.s32 @!p0 $0x1082;
	s9 =	sld [smem:$0x3FAD]  }
0x2f: {  	lr =	sadd.s32 s0, s3;
	s0 =	sld [smem:$0x3FA4]  }
0x30: {  	s3 =	sld [smem:$0x3FA7]  }
0x31: {  	[smem:$0x3FB0] =	sst s10  }
0x32: {  	s10 =	sld [smem:$0x3FAE];
	_ =	sdelay $0x3  }
0x33: {  	p0 =	seq.s32 s10, $0x1;
	s10 =	sld [smem:$0x3FB0];
	_ =	sdelay $0x3  }
0x34: {  	[smem:$0x3FB0] =	sst s10  }
0x35: {  	s10 =	sld [smem:$0x3FAF];
	_ =	sdelay $0x3  }
0x36: {  	p1 =	seq.s32 s10, $0x1;
	s10 =	sld [smem:$0x3FB0];
	_ =	sdelay $0x3  }
0x37: {  	[smem:$0x3FB0] =	sst s10  }
0x38: {  	s10 =	sld [smem:$0x3FB1]  }
0x39: {  	_ = 	snop;
	(pc) =	sbr.ind lr, $3  }
0x3a: {  	_ = 	snop  }
0x3b: {  	_ = 	snop  }
0x3c: {  	p2 =	seq.s32 s10, $0x1;
	s10 =	sld [smem:$0x3FB0]  }
0x3d: {  	_ =	shalt  }
0x3e: {  	_ =	shalt  }
0x3f: {  	_ =	shalt  }
0x40: {  	_ =	shalt  }
0x41: {  	_ =	shalt  }
0x42: {  	_ =	shalt  }
0x43: {  	_ =	shalt  }
0x44: {  	_ =	shalt  }
0x45: {  	_ =	shalt  }
0x46: {  	_ =	shalt  }
0x47: {  	_ =	shalt  }
0x48: {  	_ =	shalt  }
0x49: {  	_ =	shalt  }
0x4a: {  	_ =	shalt  }
0x4b: {  	_ =	shalt  }
0x4c: {  	_ =	shalt  }
0x4d: {  	_ =	shalt  }
0x4e: {  	_ =	shalt  }
0x4f: {  	_ =	shalt  }
0x50: {  	_ =	shalt  }
0x51: {  	_ =	shalt  }
0x52: {  	_ =	shalt  }
0x53: {  	_ =	shalt  }
0x54: {  	_ =	shalt  }
0x55: {  	_ =	shalt  }
0x56: {  	_ =	shalt  }
0x57: {  	_ =	shalt  }
0x58: {  	_ =	shalt  }
0x59: {  	_ =	shalt  }
0x5a: {  	_ =	shalt  }
0x5b: {  	_ =	shalt  }
0x5c: {  	_ =	shalt  }
0x5d: {  	_ =	shalt  }
0x5e: {  	_ =	shalt  }
0x5f: {  	_ =	shalt  }
0x60: {  	_ =	shalt  }
0x61: {  	_ =	shalt  }
0x62: {  	_ =	shalt  }
0x63: {  	_ =	shalt  }
0x64: {  	_ =	shalt  }
0x65: {  	_ =	shalt  }
0x66: {  	_ =	shalt  }
0x67: {  	_ =	shalt  }
0x68: {  	_ =	shalt  }
0x69: {  	_ =	shalt  }
0x6a: {  	_ =	shalt  }
0x6b: {  	_ =	shalt  }
0x6c: {  	_ =	shalt  }
0x6d: {  	_ =	shalt  }
0x6e: {  	_ =	shalt  }
0x6f: {  	_ =	shalt  }
0x70: {  	_ =	shalt  }
0x71: {  	_ =	shalt  }
0x72: {  	_ =	shalt  }
0x73: {  	_ =	shalt  }
0x74: {  	_ =	shalt  }
0x75: {  	_ =	shalt  }
0x76: {  	_ =	shalt  }
0x77: {  	_ =	shalt  }
0x78: {  	_ =	shalt  }
0x79: {  	_ =	shalt  }
0x7a: {  	_ =	shalt  }
0x7b: {  	_ =	shalt  }
0x7c: {  	_ =	shalt  }
0x7d: {  	_ =	shalt  }
0x7e: {  	_ =	shalt  }
0x7f: {  	_ =	shalt  }
0x80: {  	_ =	shalt  }
0x81: {  	_ =	shalt  }
0x82: {  	_ =	shalt  }
0x83: {  	_ =	shalt  }
0x84: {  	_ =	shalt  }
0x85: {  	_ =	shalt  }
0x86: {  	_ =	shalt  }
0x87: {  	_ =	shalt  }
.Lfunc_end0:
.L_simem_size_0:
called_computation.1_lowered:
.L_overlay_start_0:
0x88: {  	s2 =	sld [smem:$0x3FD9]  }
0x89: {  	s3 =	sld [smem:$0x3FFE];
	_ =	sdelay $0x1  }
0x8a: {  	s1 =	srdreg.scid  }
0x8b: {  	s0 =	sand.u32 $0x1, s1  }
0x8c: {  	s16 =	sshll.u32 s0, $0xA;
	s2 =	sadd.s32 s3, s2  }
0x8d: {  	s2 =	sadd.s32 s2, s16  }
0x8e: {  	[smem:$0x3FBC] =	sst s2  }
0x8f: {  	_ = 	snop  }
0x90: {  	(tm) =	ssettm $0x1  }
0x91: {  	s17 =	sld [smem:$0x3FFB];
	_ =	sdelay $0x3  }
0x92: {  	_ =	strace s17  }
0x93: {  	s2 =	sld [smem:$0x3FFC];
	_ =	sdelay $0x3  }
0x94: {  	_ =	strace s2  }
0x95: {  	s2 =	sld [smem:$0x3FFD];
	_ =	sdelay $0x3  }
0x96: {  	_ =	strace s2  }
0x97: {  	_ =	strace $0x8FFFFFFF  }
0x98: {  	s18 =	sld [smem:$0x3FDB];
	_ =	sdelay $0x1  }
0x99: {  	s19 =	simm.s32 $_scs_section_size  }
0x9a: {  	s4 =	simm.s32 $_size__tile_overlayer_lowered;
	s5 =	simm.s32 $_tile_overlayer_lowered  }
0x9b: {  	s22 =	simm.s32 $0x1BFF;
	s21 =	sshll.u32 s5, $0x1;
	s2 =	sadd.s32 s19, s18  }
0x9c: {  	s6 =	simm.s32 $0x0;
	s20 =	sshll.u32 s4, $0x1;
	s4 =	sadd.s32 s21, s2  }
0x9d: {  	[timem:s6], [sflag:s22] =	dma.local [hbm:s4], s20  }
0x9e: {  	_ =	swait.ge [sflag:s22], s20  }
0x9f: {  	s3 =	ssub.s32 $0x0, s20;
	[sflag:s22] =	ssyncset.done $0x0  }
0xa0: {  	[sflag:s22] =	ssyncadd.s32 s3;
	_ =	sdelay $0x1  }
0xa1: {  	s23 =	simm.s32 $0x1B8B  }
0xa2: {  	_ =	swait.ge [sflag:s23], $0x1  }
0xa3: {  	[sflag:s23] =	ssyncset.done $0x0  }
0xa4: {  	s25 =	simm.s32 $0x1B8E;
	s24 =	sld [smem:$0x3FFE];
	[sflag:s23] =	ssyncadd.s32 $0xFFFFFFFF  }
0xa5: {  	s26 =	simm.s32 $execute0_lowered;
	[smem:$0x3FD2] =	sst s25  }
0xa6: {  	s4 =	sshll.u32 s26, $0x1;
	_ =	strace $0x80000049;
	[dreg:$0x1] =	wrdreg $0xFFFFFFFF  }
0xa7: {  	s28 =	simm.s32 $_size_execute0_lowered;
	s2 =	sadd.s32 s2, s4;
	[dreg:$0x0] =	wrdreg $0x0  }
0xa8: {  	s4 =	sshll.u32 s28, $0x1;
	[dreg:$0x2] =	wrdreg s2  }
0xa9: {  	[dreg:$0x3] =	wrdreg s4  }
0xaa: {  	[dreg:$0x4] =	wrdreg $0xC0  }
0xab: {  	_ =	task [dreg:s6], $0x5FFFF  }
0xac: {  	[dreg:$0x1] =	wrdreg $0xFFFFFFFF  }
0xad: {  	[dreg:$0x0] =	wrdreg $0x60  }
0xae: {  	[dreg:$0x2] =	wrdreg s24  }
0xaf: {  	[dreg:$0x3] =	wrdreg $0x7AC00  }
0xb0: {  	[dreg:$0x4] =	wrdreg $0x67000  }
0xb1: {  	[dreg:$0x5] =	wrdreg $0x9  }
0xb2: {  	_ =	task.clear_ibuf [dreg:s6], $0x6FFFF;
	_ =	strace $0x90000049  }
0xb3: {  	s29 =	simm.s32 $0x9;
	_ =	strace $0x8000004B  }
0xb4: {  	_ =	swait.ge [sflag:s29], $0x1  }
0xb5: {  	[sflag:s29] =	ssyncadd.s32 $0xFFFFFFFF  }
0xb6: {  	_ =	strace $0x9000004B  }
0xb7: {  	_ =	sfence  }
0xb8: {  	s30 =	sld [smem:$0x0];
	_ =	sdelay $0x2  }
0xb9: {  	s31 =	sshll.u32 s1, $0xD;
	s1 =	sshrl.u32 s1, $0x2  }
0xba: {  	s3 =	sand.u32 $0x4000, s31;
	s1 =	sadd.s32 s1, s30  }
0xbb: {  	s0 =	sor.u32 s3, s0;
	s1 =	sshll.u32 s1, $0x11  }
0xbc: {  	s0 =	sor.u32 s1, s0  }
0xbd: {  	s0 =	sadd.s32 $0x8F2B, s0  }
0xbe: {  	[sflag:s0] =	ssyncadd.remote.s32 $0x1  }
0xbf: {  	_ =	sfence.sel $0xFFFF  }
0xc0: {  	[dreg:$0x0] =	wrdreg $0xFFFFFFFF;
	(pc) =	sbr.abs _section_cstart, $3  }
0xc1: {  	[dreg:$0x1] =	wrdreg $0xFFFFFFFF  }
0xc2: {  	_ =	task.clear_ibuf [dreg:s6], $0x2FFFF;
	_ =	strace $0x9FFFFFFF  }
0xc3: {  	(tm) =	ssettm $0x7FFFFFFF  }
tec
execute0_lowered:
.L_overlay_start_1:
0x0: {  	(tag) =	ssettag $0x1  }
0x1: {  	s0 =	rddreg [dreg:$0x0]  }
0x2: {  	s2 =	rddreg [dreg:$0x1]  }
0x3: {  	s3 =	rddreg [dreg:$0x2]  }
0x4: {  	s10 =	stileid.u32;
	s1 =	srdreg.scid;
	s4 =	simm.s32 $0x0  }
0x5: {  	s13 =	simm.s32 $0xD;
	s15 =	simm.s32 $0x80;
	s28 =	simm.s32 $0xB  }
0x6: {  	s29 =	simm.s32 $0xC;
	s30 =	simm.s32 $0x7;
	s31 =	simm.s32 $0x0  }
0x7: {  	s7 =	smul.u32 $0x13C0, s10;
	s1 =	sand.u32 $0x1, s1;
	[smem:$0x7FF] =	sst s4  }
0x8: {  	s5 =	sshll.u32 s10, $0x1;
	s25 =	sshll.u32 s10, $0x6;
	s6 =	smul.u32 $0x13C00, s1  }
0x9: {  	_ =	strace $0x8000004A;
	s5 =	sor.u32 s1, s5;
	s1 =	ssub.s32 $0x2, s1  }
0xa: {  	s8 =	sshrl.u32 s7, $0x3;
	s5 =	smul.u32 $0x4F0, s5;
	s24 =	sshrl.u32 s1, $0x1  }
0xb: {  	s12 =	sadd.s32 s7, s2;
	s14 =	sadd.s32 s7, s3;
	s6 =	sadd.s32 s7, s6  }
0xc: {  	s8 =	sadd.s32 s8, s0;
	s1 =	ssub.s32 s1, s24;
	s12 =	sshrl.u32 s12, $0x3  }
0xd: {  	s14 =	sshrl.u32 s14, $0x3;
	s24 =	simm.s32 $0x8;
	s6 =	sshrl.u32 s6, $0x3  }
0xe: {  	s9 =	sadd.s32 s5, s0;
	s26 =	sadd.s32 $0x3E00, s8;
	s7 =	sadd.s32 $0x1600, s8  }
0xf: {  	s11 =	smax.u32 s1, $0x1;
	s0 =	sadd.s32 s6, s0;
	[dreg:$0x4] =	wrdreg s26  }
0x10: {  	s6 =	sor.u32 $0x1C0D, s25;
	s8 =	sadd.s32 $0x32800, s9;
	s9 =	sadd.s32 $0x28A00, s9  }
0x11: {  	s25 =	simm.s32 $0x9;
	s26 =	simm.s32 $0xA;
	s10 =	sadd.s32 $0x6600, s0  }
.LBB2_1:
0x12: {  	s0 =	rddreg [dreg:$0x4]  }
0x13: {  	[spmem:s12], [sflag:s6] =	dma.local [hbm:s0], $0x278  }
0x14: {  	_ =	swait.ge [sflag:s13], $0x278  }
0x15: {  	[sflag:s13] =	ssyncset.done $0x0  }
0x16: {  	[sflag:s13] =	ssyncadd.s32 $0xFFFFFD88  }
0x17: {  	[spmem:s14], [sflag:s6] =	dma.local [hbm:s7], $0x278  }
0x18: {  	_ =	swait.ge [sflag:s13], $0x278  }
0x19: {  	[sflag:s13] =	ssyncset.done $0x0  }
0x1a: {  	[sflag:s13] =	ssyncadd.s32 $0xFFFFFD88  }
0x1b: {  	[tilespmem:s4], [sflag:$0xD] =	stream.linear.gather [hbm4b:s8+s4], $0x2780, $0x38;
	[tilespmem:$0x8E80] =	vst v63  }
0x1c: {  	_ =	swait.ge [sflag:s13], $0x2780  }
0x1d: {  	s1 =	simm.s32 $0x2780;
	[sflag:s13] =	ssyncset.done $0x0  }
0x1e: {  	s16 =	simm.s32 $0x4F00;
	s17 =	simm.s32 $0x5300;
	[sflag:s13] =	ssyncadd.s32 $0xFFFFD880  }
0x1f: {  	[tilespmem:s1], [sflag:$0xD] =	stream.linear.gather [hbm4b:s9+s4], $0x2780, $0x38;
	[tilespmem:$0x8E80] =	vst v63  }
0x20: {  	s18 =	simm.s32 $0x100;
	s5 =	simm.s32 $0x5700;
	_ =	swait.ge [sflag:s13], $0x2780  }
0x21: {  	s19 =	simm.s32 $0x180;
	s20 =	simm.s32 $0x5B00;
	[sflag:s13] =	ssyncset.done $0x0  }
0x22: {  	s21 =	simm.s32 $0x200;
	p0 =	por $0x0, $0x0;
	[sflag:s13] =	ssyncadd.s32 $0xFFFFD880  }
0x23: {  	s23 =	smul.u32 $0xAB, s4;
	p1 =	por @!p0 $0x1, $0x1;
	[bflag:$0x0] =	sbarrier.arrive $0xFFFF  }
0x24: {  	[tilespmem:s16], [sflag:$0x1] =	stream.indirect.gather [spmem:s3], $0x8, s4, s15, $0xb8;
	[tilespmem:$0x8E80] =	vst v63  }
0x25: {  	s0 =	sshrl.u32 s23, $0xA;
	p1 =	por p1, p0;
	s16 =	simm.s32 $0x5  }
0x26: {  	[tilespmem:s17], [sflag:$0x2] =	stream.indirect.gather [spmem:s3], $0x8, s15, s15, $0xb8;
	[tilespmem:$0x8E80] =	vst v63  }
0x27: {  	s0 =	sand.u32 $0x3F, s0;
	s16 =	smul.u32 @!p0 $0xAB, s16;
	s17 =	simm.s32 @!p1 $0xFFFFFFFF  }
0x28: {  	[tilespmem:s5], [sflag:$0x3] =	stream.indirect.gather [spmem:s3], $0x8, s18, s15, $0xb8;
	[tilespmem:$0x8E80] =	vst v63  }
0x29: {  	s16 =	sshrl.u32 @!p0 s16, $0xA;
	s18 =	smul.u32 $0x6, s0;
	s0 =	sand.u32 @!p1 $0xFF, s17  }
0x2a: {  	[tilespmem:s20], [sflag:$0x4] =	stream.indirect.gather [spmem:s3], $0x8, s19, s15, $0xb8;
	[tilespmem:$0x8E80] =	vst v63  }
0x2b: {  	s16 =	sand.u32 @!p0 $0x3F, s16;
	s17 =	smul.u32 @!p1 $0xAB, s0;
	s18 =	ssub.s32 $0x0, s18  }
0x2c: {  	s22 =	simm.s32 $0x5F00;
	s16 =	smul.u32 @!p0 $0x6, s16;
	s18 =	sand.u32 $0xFF, s18  }
0x2d: {  	[tilespmem:s22], [sflag:$0x5] =	stream.indirect.gather [spmem:s3], $0x8, s21, s15, $0xb8;
	[tilespmem:$0x8E80] =	vst v63  }
0x2e: {  	s0 =	simm.s32 $0x280;
	s17 =	sshrl.u32 @!p1 s17, $0xA;
	s19 =	sadd.s32 $0x1, s18  }
0x2f: {  	s16 =	ssub.s32 @!p0 $0x5, s16;
	s17 =	smul.u32 @!p1 $0x6, s17;
	_ =	swait.ge [sflag:s19], $0x400  }
0x30: {  	s20 =	sshll.u32 s18, $0xA;
	s18 =	sadd.s32 $0x7, s18;
	[sflag:s19] =	ssyncset.done $0x0  }
0x31: {  	s20 =	sadd.s32 $0x4F00, s20;
	s17 =	ssub.s32 @!p1 $0xFFFFFFFF, s17;
	[sflag:s19] =	ssyncadd.s32 $0xFFFFFC00  }
0x32: {  	[spmem:s2] =	stream.indirect.scatter.add.f32 [tilespmem:s20], [sflag:s18], $0x8, s1, s15, $0xb8;
	[tilespmem:$0x8E80] =	vst v63  }
0x33: {  	s21 =	simm.s32 @!p0 $0x80;
	s17 =	sand.u32 @!p1 $0xFF, s17;
	s1 =	simm.s32 $0x1  }
0x34: {  	s18 =	sadd.s32 @!p1 $0x7, s17;
	s17 =	sand.u32 @!p0 $0xFF, s16;
	s16 =	simm.s32 $0x2800  }
0x35: {  	_ =	swait.ge @!p1 [sflag:s18], $0x400;
	s20 =	sshll.u32 @!p0 s17, $0xA;
	s19 =	sadd.s32 @!p0 $0x1, s17  }
0x36: {  	s17 =	simm.s32 $0x280;
	[sflag:s18] =	ssyncset.done @!p1 $0x0;
	s20 =	sadd.s32 @!p0 $0x4F00, s20  }
.LBB2_2:
0x37: {  	[sflag:s18] =	ssyncadd.s32 @!p1 $0xFFFFFC00  }
0x38: {  	s0 =	sadd.s32 $0x80, s0;
	s18 =	smov.u32 s1;
	s1 =	sadd.s32 $0x1, s1  }
0x39: {  	[tilespmem:s20], [sflag:s19] =	stream.indirect.gather @!p0 [spmem:s3], $0x8, s17, s21, $0xb8;
	[tilespmem:$0x8E80] =	vst v63  }
0x3a: {  	s17 =	smul.u32 $0xAB, s18;
	s19 =	sadd.s32 $0x5, s18;
	p0 =	sgt.u32 s18, $0x49  }
0x3b: {  	p2 =	sne.s32 s1, $0x4F;
	p1 =	seq.s32 @!p0 s18, $0x0;
	s20 =	smul.u32 @!p0 $0xAB, s19  }
0x3c: {  	s21 =	sshrl.u32 s17, $0xA;
	p1 =	por p1, p0;
	s17 =	smov.u32 s0  }
0x3d: {  	s21 =	sand.u32 $0x3F, s21;
	s22 =	sadd.s32 @!p1 $0xFFFFFFFF, s18;
	s20 =	sshrl.u32 @!p0 s20, $0xA  }
0x3e: {  	s21 =	smul.u32 $0x6, s21;
	s23 =	sand.u32 @!p1 $0xFF, s22;
	s20 =	sand.u32 @!p0 $0x3F, s20  }
0x3f: {  	s23 =	smul.u32 @!p1 $0xAB, s23  }
0x40: {  	s20 =	smul.u32 @!p0 $0x6, s20;
	s18 =	ssub.s32 s18, s21  }
0x41: {  	s18 =	sand.u32 $0xFF, s18;
	s21 =	sshrl.u32 @!p1 s23, $0xA  }
0x42: {  	s23 =	sshll.u32 s18, $0xA;
	s5 =	sadd.s32 $0x1, s18;
	s21 =	smul.u32 @!p1 $0x6, s21  }
0x43: {  	s19 =	ssub.s32 @!p0 s19, s20;
	s18 =	sadd.s32 $0x7, s18;
	_ =	swait.ge [sflag:s5], $0x400  }
0x44: {  	s20 =	ssub.s32 @!p1 s22, s21;
	s21 =	sadd.s32 $0x4F00, s23;
	[sflag:s5] =	ssyncset.done $0x0  }
.Ltmp0:
0x45: {  	[sflag:s5] =	ssyncadd.s32 $0xFFFFFC00;
	s5 =	sand.u32 @!p1 $0xFF, s20;
	(pc) =	sbr.rel @p2 .LBB2_2-.Ltmp0, $4  }
0x46: {  	[spmem:s2] =	stream.indirect.scatter.add.f32 [tilespmem:s21], [sflag:s18], $0x8, s16, s15, $0xb8;
	[tilespmem:$0x8E80] =	vst v63  }
0x47: {  	s18 =	sadd.s32 @!p1 $0x7, s5;
	s5 =	sand.u32 @!p0 $0xFF, s19;
	s16 =	sadd.s32 $0x80, s16  }
0x48: {  	s20 =	sshll.u32 @!p0 s5, $0xA;
	s19 =	sadd.s32 @!p0 $0x1, s5;
	_ =	swait.ge @!p1 [sflag:s18], $0x400  }
0x49: {  	s21 =	simm.s32 @!p0 $0x80;
	s20 =	sadd.s32 @!p0 $0x4F00, s20;
	[sflag:s18] =	ssyncset.done @!p1 $0x0  }
0x4a: {  	[sflag:s18] =	ssyncadd.s32 @!p1 $0xFFFFFC00  }
0x4b: {  	[tilespmem:s20], [sflag:s19] =	stream.indirect.gather @!p0 [spmem:s3], $0x8, s17, s21, $0xb8;
	[tilespmem:$0x8E80] =	vst v63  }
0x4c: {  	_ =	swait.ge [sflag:s24], $0x400  }
0x4d: {  	[sflag:s24] =	ssyncset.done $0x0  }
0x4e: {  	[sflag:s24] =	ssyncadd.s32 $0xFFFFFC00  }
0x4f: {  	_ =	swait.ge [sflag:s25], $0x400  }
0x50: {  	[sflag:s25] =	ssyncset.done $0x0  }
0x51: {  	[sflag:s25] =	ssyncadd.s32 $0xFFFFFC00  }
0x52: {  	_ =	swait.ge [sflag:s26], $0x400  }
0x53: {  	[sflag:s26] =	ssyncset.done $0x0  }
0x54: {  	[sflag:s26] =	ssyncadd.s32 $0xFFFFFC00  }
0x55: {  	_ =	swait.ge [sflag:s28], $0x400  }
0x56: {  	[sflag:s28] =	ssyncset.done $0x0  }
0x57: {  	[sflag:s28] =	ssyncadd.s32 $0xFFFFFC00  }
0x58: {  	_ =	swait.ge [sflag:s29], $0x400  }
0x59: {  	[sflag:s29] =	ssyncset.done $0x0  }
0x5a: {  	[sflag:s29] =	ssyncadd.s32 $0xFFFFFC00  }
0x5b: {  	_ =	swait.ge [sflag:s30], $0x400  }
0x5c: {  	s31 =	sadd.s32 $0x1, s31;
	[sflag:s30] =	ssyncset.done $0x0  }
0x5d: {  	p0 =	sne.s32 s31, s11;
	[sflag:s30] =	ssyncadd.s32 $0xFFFFFC00  }
.Ltmp1:
0x5e: {  	[bflag:$0x0] =	sbarrier.arrive $0xFFFF;
	(pc) =	sbr.rel @p0 .LBB2_1-.Ltmp1, $4  }
0x5f: {  	[hbm:s10], [sflag:s6] =	dma.local [spmem:s12], $0x278  }
0x60: {  	_ =	swait.ge [sflag:s13], $0x278  }
0x61: {  	[sflag:s13] =	ssyncset.done $0x0  }
0x62: {  	[sflag:s13] =	ssyncadd.s32 $0xFFFFFD88  }
0x63: {  	_ =	sfence.sel $0x180000  }
0x64: {  	[bflag:$0x0] =	sbarrier.arrive $0xFFFF  }
0x65: {  	_ =	strace $0x9000004A  }
0x66: {  	s0 =	stileid.u32;
	[bflag:$0x2] =	sbarrier.arrive $0xFFFF  }
0x67: {  	p0 =	sne.s32 s0, $0x0;
	s0 =	rddreg [dreg:$0x3]  }
0x68: {  	s0 =	sadd.s32 @!p0 $0x100000, s0  }
0x69: {  	[sflag:s0] =	ssyncadd.tile.s32 @!p0 $0x1;
	_ =	shalt  }
.Lfunc_end2:
_tile_overlayer_lowered:
.L_overlay_start_2:
0x6a: {  	(tag) =	ssettag $0x2  }
0x6b: {  	s0 =	rddreg [dreg:$0x0];
	s2 =	stileid.u32  }
0x6c: {  	s1 =	rddreg [dreg:$0x1];
	p0 =	sne.s32 s2, $0x0  }
0x6d: {  	s3 =	rddreg [dreg:$0x2];
	[bflag:$0x3] =	sbarrier.arrive $0xFFFF;
	s2 =	simm.s32 @!p0 $0x1C0D  }
0x6e: {  	[timem:s3], [sflag:s2] =	dma.local @!p0 [hbm:s0], s1  }
0x6f: {  	s0 =	simm.s32 @!p0 $0xD  }
0x70: {  	_ =	swait.ge @!p0 [sflag:s0], s1  }
0x71: {  	s1 =	ssub.s32 @!p0 $0x0, s1;
	[sflag:s0] =	ssyncset.done @!p0 $0x0  }
0x72: {  	[sflag:s0] =	ssyncadd.s32 @!p0 s1  }
0x73: {  	[bflag:$0x3] =	sbarrier.arrive $0xFFFF  }
0x74: {  	_ =	shalt  }

</sc_bundles>
